<compile_context>
chip_gen: v7x
topology: tpu7x:2x2x1
jax: 0.10.2.dev20260603
libtpu: 0.0.44.dev20260713+nightly
codegen_flags: <defaults>
</compile_context>

<pallas_src>
import jax
import jax.numpy as jnp
from jax import lax
from jax.experimental import pallas as pl
from jax.experimental.pallas import tpu as pltpu
from jax.experimental.pallas import tpu_sc as plsc

N = 10000
E = 320000
D = 128
H = 128
G = 64

NC = 2
NS = 16
CH = 128
NW = NC * NS
NPASS = 2
HK = 40
KPT = NPASS * HK
CHUNKS = NW * KPT
E_PAD = CHUNKS * CH
NP = 10112
TR = NP // NS

R = 1000
GRID = N // R


def _sc_scatter_body(x_hbm, src_hbm, dst_hbm, zero_hbm, out_hbm,
                     acc, src_v, dst_v, rows0_v, rows1_v, sem0, sem1):
    c = lax.axis_index("c")
    s = lax.axis_index("s")

    pltpu.sync_copy(zero_hbm.at[pl.ds(s * TR, TR)], acc.at[pl.ds(s * TR, TR)])
    plsc.subcore_barrier()

    wid = s * NC + c
    for p in range(NPASS):
        pltpu.sync_copy(src_hbm.at[wid, p], src_v)
        pltpu.sync_copy(dst_hbm.at[wid, p], dst_v)

        pltpu.async_copy(x_hbm.at[src_v.at[0]], rows0_v, sem0)
        pltpu.async_copy(x_hbm.at[src_v.at[1]], rows1_v, sem1)

        def step(j, carry):
            i = 2 * j
            pltpu.make_async_copy(x_hbm.at[src_v.at[i]], rows0_v, sem0).wait()
            pltpu.sync_copy(rows0_v, acc.at[dst_v.at[i]], add=True)
            pltpu.async_copy(x_hbm.at[src_v.at[i + 2]], rows0_v, sem0)
            pltpu.make_async_copy(
                x_hbm.at[src_v.at[i + 1]], rows1_v, sem1).wait()
            pltpu.sync_copy(rows1_v, acc.at[dst_v.at[i + 1]], add=True)
            pltpu.async_copy(x_hbm.at[src_v.at[i + 3]], rows1_v, sem1)
            return carry

        lax.fori_loop(0, HK // 2 - 1, step, 0)
        pltpu.make_async_copy(x_hbm.at[src_v.at[HK - 2]], rows0_v, sem0).wait()
        pltpu.sync_copy(rows0_v, acc.at[dst_v.at[HK - 2]], add=True)
        pltpu.make_async_copy(x_hbm.at[src_v.at[HK - 1]], rows1_v, sem1).wait()
        pltpu.sync_copy(rows1_v, acc.at[dst_v.at[HK - 1]], add=True)

    plsc.subcore_barrier()
    pltpu.sync_copy(acc.at[pl.ds(s * TR, TR)],
                    out_hbm.at[c, pl.ds(s * TR, TR)])


@jax.jit
def _sc_scatter(x, srcp, dstp, zero):
    mesh = plsc.VectorSubcoreMesh(core_axis_name="c", subcore_axis_name="s",
                                  num_cores=NC, num_subcores=NS)
    fn = pl.kernel(
        _sc_scatter_body,
        out_type=jax.ShapeDtypeStruct((NC, NP, D), jnp.float32),
        mesh=mesh,
        scratch_types=[
            pltpu.VMEM_SHARED((NP, D), jnp.float32),
            pltpu.VMEM((HK, CH), jnp.int32),
            pltpu.VMEM((HK, CH), jnp.int32),
            pltpu.VMEM((CH, D), jnp.float32),
            pltpu.VMEM((CH, D), jnp.float32),
            pltpu.SemaphoreType.DMA,
            pltpu.SemaphoreType.DMA,
        ],
    )
    return fn(x, srcp, dstp, zero)


def _tc1_body(agg_a, agg_b, x, w_rel, w_root, b, out):
    agg = agg_a[0] + agg_b[0]
    h = (jnp.dot(agg, w_rel[...], preferred_element_type=jnp.float32)
         + jnp.dot(x[...], w_root[...], preferred_element_type=jnp.float32)
         + b[...])
    out[...] = jnp.maximum(h, 0.0)


@jax.jit
def _tc_layer1(agg, x, w_rel, w_root, b):
    return pl.pallas_call(
        _tc1_body,
        grid=(GRID,),
        in_specs=[
            pl.BlockSpec((1, R, D), lambda i: (0, i, 0)),
            pl.BlockSpec((1, R, D), lambda i: (1, i, 0)),
            pl.BlockSpec((R, D), lambda i: (i, 0)),
            pl.BlockSpec((D, H), lambda i: (0, 0)),
            pl.BlockSpec((D, H), lambda i: (0, 0)),
            pl.BlockSpec((1, H), lambda i: (0, 0)),
        ],
        out_specs=pl.BlockSpec((R, H), lambda i: (i, 0)),
        out_shape=jax.ShapeDtypeStruct((N, H), jnp.float32),
    )(agg, agg, x, w_rel, w_root, b)


def _tc2_body(agg_a, agg_b, h, batch, w_rel, w_root, b, wl, bl, out,
              sums, counts):
    i = pl.program_id(0)

    @pl.when(i == 0)
    def _():
        sums[...] = jnp.zeros((G, H), jnp.float32)
        counts[...] = jnp.zeros((G, H), jnp.float32)

    agg = agg_a[0] + agg_b[0]
    h2 = (jnp.dot(agg, w_rel[...], preferred_element_type=jnp.float32)
          + jnp.dot(h[...], w_root[...], preferred_element_type=jnp.float32)
          + b[...])
    h2 = jnp.maximum(h2, 0.0)

    bvec = batch[0, 0, :]
    oh = (lax.broadcasted_iota(jnp.int32, (G, R), 0)
          == bvec[None, :]).astype(jnp.float32)
    sums[...] += jnp.dot(oh, h2, preferred_element_type=jnp.float32)
    counts[...] += jnp.dot(oh, jnp.ones((R, H), jnp.float32),
                           preferred_element_type=jnp.float32)

    @pl.when(i == GRID - 1)
    def _():
        pooled = sums[...] / jnp.maximum(counts[...], 1.0)
        out[...] = (jnp.dot(pooled, wl[...],
                            preferred_element_type=jnp.float32) + bl[...])


@jax.jit
def _tc_layer2_pool(agg, h, batch3, w_rel, w_root, b, wl, bl):
    return pl.pallas_call(
        _tc2_body,
        grid=(GRID,),
        in_specs=[
            pl.BlockSpec((1, R, D), lambda i: (0, i, 0)),
            pl.BlockSpec((1, R, D), lambda i: (1, i, 0)),
            pl.BlockSpec((R, H), lambda i: (i, 0)),
            pl.BlockSpec((1, 1, R), lambda i: (i, 0, 0)),
            pl.BlockSpec((H, H), lambda i: (0, 0)),
            pl.BlockSpec((H, H), lambda i: (0, 0)),
            pl.BlockSpec((1, H), lambda i: (0, 0)),
            pl.BlockSpec((H, 1), lambda i: (0, 0)),
            pl.BlockSpec((1, 1), lambda i: (0, 0)),
        ],
        out_specs=pl.BlockSpec((G, 1), lambda i: (0, 0)),
        out_shape=jax.ShapeDtypeStruct((G, 1), jnp.float32),
        scratch_shapes=[
            pltpu.VMEM((G, H), jnp.float32),
            pltpu.VMEM((G, H), jnp.float32),
        ],
    )(agg, agg, h, batch3, w_rel, w_root, b, wl, bl)


def kernel(x, edge_index, batch, W1_rel, W1_root, b1, W2_rel, W2_root, b2,
           Wl, bl):
    src = edge_index[0]
    dst = edge_index[1]
    pad = E_PAD - E
    psrc = jnp.arange(pad, dtype=jnp.int32) % N
    srcp = jnp.concatenate([src, psrc]).reshape(NW, NPASS, HK, CH)
    junk = N + (jnp.arange(pad, dtype=jnp.int32) % (NP - N))
    dstp = jnp.concatenate([dst, junk]).reshape(NW, NPASS, HK, CH)
    zero = jnp.zeros((NP, D), jnp.float32)

    agg1 = _sc_scatter(x, srcp, dstp, zero)
    h = _tc_layer1(agg1, x, W1_rel, W1_root, b1.reshape(1, H))
    agg2 = _sc_scatter(h, srcp, dstp, zero)
    out = _tc_layer2_pool(agg2, h, batch.reshape(GRID, 1, R),
                          W2_rel, W2_root, b2.reshape(1, H),
                          Wl, bl.reshape(1, 1))
    return out

# --- scband reference (transcript-rebuilt; emitter-appended) ---
"""Pipeline reference for scband-gnnmodel-45268955300377 (READ-ONLY COPY).

The authoritative reference and input builder live on the scoring server;
editing this copy changes nothing except your own understanding.
"""

import jax, jax.numpy as jnp
import numpy as np

N = 10000
E = 320000
D = 128
H = 128
G = 64


def setup_inputs(seed: int = 0) -> dict:
    key = jax.random.key(seed)
    ks = jax.random.split(key, 12)
    x = jax.random.normal(ks[0], (N, D), dtype=jnp.float32)
    edge_index = jax.random.randint(ks[1], (2, E), 0, N, dtype=jnp.int32)
    batch = jnp.sort(jax.random.randint(ks[2], (N,), 0, G, dtype=jnp.int32))
    s_in = 1.0 / np.sqrt(D)
    s_h = 1.0 / np.sqrt(H)
    W1_rel = jax.random.normal(ks[3], (D, H), dtype=jnp.float32) * s_in
    W1_root = jax.random.normal(ks[4], (D, H), dtype=jnp.float32) * s_in
    b1 = jax.random.normal(ks[5], (H,), dtype=jnp.float32) * 0.01
    W2_rel = jax.random.normal(ks[6], (H, H), dtype=jnp.float32) * s_h
    W2_root = jax.random.normal(ks[7], (H, H), dtype=jnp.float32) * s_h
    b2 = jax.random.normal(ks[8], (H,), dtype=jnp.float32) * 0.01
    Wl = jax.random.normal(ks[9], (H, 1), dtype=jnp.float32) * s_h
    bl = jax.random.normal(ks[10], (1,), dtype=jnp.float32) * 0.01
    return {"x": x, "edge_index": edge_index, "batch": batch,
            "W1_rel": W1_rel, "W1_root": W1_root, "b1": b1,
            "W2_rel": W2_rel, "W2_root": W2_root, "b2": b2,
            "Wl": Wl, "bl": bl}


def reference(x, edge_index, batch, W1_rel, W1_root, b1, W2_rel, W2_root, b2, Wl, bl):
    src = edge_index[0]
    dst = edge_index[1]
    # GraphConv layer 1: out = agg(x_j) @ W_rel + b + x @ W_root  (aggr='add')
    agg1 = jnp.zeros((N, D), dtype=x.dtype).at[dst].add(x[src])
    h = agg1 @ W1_rel + b1 + x @ W1_root
    h = jax.nn.relu(h)
    # GraphConv layer 2
    agg2 = jnp.zeros((N, H), dtype=h.dtype).at[dst].add(h[src])
    h2 = agg2 @ W2_rel + b2 + h @ W2_root
    h2 = jax.nn.relu(h2)
    # global_mean_pool over batch assignment
    sums = jax.ops.segment_sum(h2, batch, num_segments=G)
    counts = jax.ops.segment_sum(jnp.ones((N,), dtype=h2.dtype), batch, num_segments=G)
    pooled = sums / jnp.maximum(counts, 1.0)[:, None]
    out = pooled @ Wl + bl
    return out

if __name__ == "__main__":
    import jax
    _d = setup_inputs()
    print(jax.jit(kernel)(*tuple(_d.values())))

</pallas_src>

<mosaic_0001>
#map = affine_map<(d0, d1) -> (0, 0)>
#map1 = affine_map<(d0, d1) -> (0, 0, 0, 0)>
#map2 = affine_map<(d0, d1) -> (0, 0, 0)>
module attributes {stable_mosaic.version = 14 : i64} {
  func.func @_sc_scatter_body(%arg0: i32, %arg1: i32, %arg2: memref<10000x128xf32, #tpu.memory_space<hbm>>, %arg3: memref<32x2x40x128xi32, #tpu.memory_space<hbm>>, %arg4: memref<32x2x40x128xi32, #tpu.memory_space<hbm>>, %arg5: memref<10112x128xf32, #tpu.memory_space<hbm>>, %arg6: memref<2x10112x128xf32, #tpu.memory_space<hbm>>, %arg7: memref<10112x128xf32, #tpu.memory_space<vmem_shared>>, %arg8: memref<40x128xi32, #tpu.memory_space<vmem>>, %arg9: memref<40x128xi32, #tpu.memory_space<vmem>>, %arg10: memref<128x128xf32, #tpu.memory_space<vmem>>, %arg11: memref<128x128xf32, #tpu.memory_space<vmem>>, %arg12: memref<!tpu.dma_semaphore, #tpu.memory_space<semaphore_mem>>, %arg13: memref<!tpu.dma_semaphore, #tpu.memory_space<semaphore_mem>>) attributes {dimension_semantics = [#tpu.dimension_semantics<core_parallel>, #tpu.dimension_semantics<subcore_parallel>], iteration_bounds = array<i64: 2, 16>, scalar_prefetch = 0 : i64, scratch_operands = 7 : i64, tpu.core_type = #tpu.core_type<sc_vector_subcore>, window_params = [{transform_indices = #map}, {transform_indices = #map1}, {transform_indices = #map1}, {transform_indices = #map}, {transform_indices = #map2}]} {
    %mul3A = arith.constant 632 : i32
    %mul3A_0 = arith.muli %arg1, %mul3A : i32
    %mul3A_1 = arith.constant 632 : i32
    %mul3A_2 = arith.muli %arg1, %mul3A_1 : i32
    "tpu.region"() ({
      %run_scoped3A_82 = tpu.sem_alloc : memref<!tpu.dma_semaphore, #tpu.memory_space<semaphore_mem>>
      %dma_start3A_83 = arith.constant 0 : i32
      %dma_start3A_84 = tpu.memref_slice %arg7[%mul3A_2, %dma_start3A_83] : memref<10112x128xf32, #tpu.memory_space<vmem_shared>> -> memref<632x128xf32, #tpu.memory_space<vmem_shared>>
      %dma_start3A_85 = arith.constant 0 : i32
      %dma_start3A_86 = tpu.memref_slice %arg5[%mul3A_0, %dma_start3A_85] : memref<10112x128xf32, #tpu.memory_space<hbm>> -> memref<632x128xf32, #tpu.memory_space<hbm>>
      tpu.enqueue_dma source(%dma_start3A_86 : memref<632x128xf32, #tpu.memory_space<hbm>>) target(%dma_start3A_84 : memref<632x128xf32, #tpu.memory_space<vmem_shared>>) target_semaphore(%run_scoped3A_82 : memref<!tpu.dma_semaphore, #tpu.memory_space<semaphore_mem>>)
      %dma_wait3A_87 = arith.constant 0 : i32
      %dma_wait3A_88 = tpu.memref_slice %arg7[%mul3A_2, %dma_wait3A_87] : memref<10112x128xf32, #tpu.memory_space<vmem_shared>> -> memref<632x128xf32, #tpu.memory_space<vmem_shared>>
      %dma_wait3A_89 = arith.constant 0 : i32
      %dma_wait3A_90 = tpu.memref_slice %arg5[%mul3A_0, %dma_wait3A_89] : memref<10112x128xf32, #tpu.memory_space<hbm>> -> memref<632x128xf32, #tpu.memory_space<hbm>>
      tpu.wait_dma2 semaphore(%run_scoped3A_82 : memref<!tpu.dma_semaphore, #tpu.memory_space<semaphore_mem>>) src(%dma_wait3A_90 : memref<632x128xf32, #tpu.memory_space<hbm>>) dst(%dma_wait3A_88 : memref<632x128xf32, #tpu.memory_space<vmem_shared>>)
      tpu.yield
    }) : () -> ()
    %barrier3A = arith.constant 0 : index
    tpu.barrier barrier_id(%barrier3A)
    %mul3A_3 = arith.constant 2 : i32
    %mul3A_4 = arith.muli %arg1, %mul3A_3 : i32
    %add3A = arith.addi %mul3A_4, %arg0 : i32
    %run_scoped3A = arith.constant 0 : i32
    "tpu.region"() ({
      %run_scoped3A_82 = tpu.sem_alloc : memref<!tpu.dma_semaphore, #tpu.memory_space<semaphore_mem>>
      %dma_start3A_83 = arith.constant 0 : i32
      %dma_start3A_84 = arith.constant 0 : i32
      %dma_start3A_85 = tpu.memref_slice %arg3[%add3A, %run_scoped3A, %dma_start3A_83, %dma_start3A_84] : memref<32x2x40x128xi32, #tpu.memory_space<hbm>> -> memref<1x1x40x128xi32, #tpu.memory_space<hbm>>
      %dma_start3A_86 = tpu.memref_squeeze %dma_start3A_85 : memref<1x1x40x128xi32, #tpu.memory_space<hbm>> -> memref<40x128xi32, #tpu.memory_space<hbm>>
      %dma_start3A_87 = arith.constant 0 : i32
      %dma_start3A_88 = arith.constant 0 : i32
      %dma_start3A_89 = tpu.memref_slice %arg3[%add3A, %run_scoped3A, %dma_start3A_87, %dma_start3A_88] : memref<32x2x40x128xi32, #tpu.memory_space<hbm>> -> memref<1x1x40x128xi32, #tpu.memory_space<hbm>>
      %dma_start3A_90 = tpu.memref_squeeze %dma_start3A_89 : memref<1x1x40x128xi32, #tpu.memory_space<hbm>> -> memref<40x128xi32, #tpu.memory_space<hbm>>
      tpu.enqueue_dma source(%dma_start3A_90 : memref<40x128xi32, #tpu.memory_space<hbm>>) target(%arg8 : memref<40x128xi32, #tpu.memory_space<vmem>>) target_semaphore(%run_scoped3A_82 : memref<!tpu.dma_semaphore, #tpu.memory_space<semaphore_mem>>)
      %dma_wait3A_91 = arith.constant 0 : i32
      %dma_wait3A_92 = arith.constant 0 : i32
      %dma_wait3A_93 = tpu.memref_slice %arg3[%add3A, %run_scoped3A, %dma_wait3A_91, %dma_wait3A_92] : memref<32x2x40x128xi32, #tpu.memory_space<hbm>> -> memref<1x1x40x128xi32, #tpu.memory_space<hbm>>
      %dma_wait3A_94 = tpu.memref_squeeze %dma_wait3A_93 : memref<1x1x40x128xi32, #tpu.memory_space<hbm>> -> memref<40x128xi32, #tpu.memory_space<hbm>>
      %dma_wait3A_95 = arith.constant 0 : i32
      %dma_wait3A_96 = arith.constant 0 : i32
      %dma_wait3A_97 = tpu.memref_slice %arg3[%add3A, %run_scoped3A, %dma_wait3A_95, %dma_wait3A_96] : memref<32x2x40x128xi32, #tpu.memory_space<hbm>> -> memref<1x1x40x128xi32, #tpu.memory_space<hbm>>
      %dma_wait3A_98 = tpu.memref_squeeze %dma_wait3A_97 : memref<1x1x40x128xi32, #tpu.memory_space<hbm>> -> memref<40x128xi32, #tpu.memory_space<hbm>>
      tpu.wait_dma2 semaphore(%run_scoped3A_82 : memref<!tpu.dma_semaphore, #tpu.memory_space<semaphore_mem>>) src(%dma_wait3A_98 : memref<40x128xi32, #tpu.memory_space<hbm>>) dst(%arg8 : memref<40x128xi32, #tpu.memory_space<vmem>>)
      tpu.yield
    }) : () -> ()
    %run_scoped3A_5 = arith.constant 0 : i32
    "tpu.region"() ({
      %run_scoped3A_82 = tpu.sem_alloc : memref<!tpu.dma_semaphore, #tpu.memory_space<semaphore_mem>>
      %dma_start3A_83 = arith.constant 0 : i32
      %dma_start3A_84 = arith.constant 0 : i32
      %dma_start3A_85 = tpu.memref_slice %arg4[%add3A, %run_scoped3A_5, %dma_start3A_83, %dma_start3A_84] : memref<32x2x40x128xi32, #tpu.memory_space<hbm>> -> memref<1x1x40x128xi32, #tpu.memory_space<hbm>>
      %dma_start3A_86 = tpu.memref_squeeze %dma_start3A_85 : memref<1x1x40x128xi32, #tpu.memory_space<hbm>> -> memref<40x128xi32, #tpu.memory_space<hbm>>
      %dma_start3A_87 = arith.constant 0 : i32
      %dma_start3A_88 = arith.constant 0 : i32
      %dma_start3A_89 = tpu.memref_slice %arg4[%add3A, %run_scoped3A_5, %dma_start3A_87, %dma_start3A_88] : memref<32x2x40x128xi32, #tpu.memory_space<hbm>> -> memref<1x1x40x128xi32, #tpu.memory_space<hbm>>
      %dma_start3A_90 = tpu.memref_squeeze %dma_start3A_89 : memref<1x1x40x128xi32, #tpu.memory_space<hbm>> -> memref<40x128xi32, #tpu.memory_space<hbm>>
      tpu.enqueue_dma source(%dma_start3A_90 : memref<40x128xi32, #tpu.memory_space<hbm>>) target(%arg9 : memref<40x128xi32, #tpu.memory_space<vmem>>) target_semaphore(%run_scoped3A_82 : memref<!tpu.dma_semaphore, #tpu.memory_space<semaphore_mem>>)
      %dma_wait3A_91 = arith.constant 0 : i32
      %dma_wait3A_92 = arith.constant 0 : i32
      %dma_wait3A_93 = tpu.memref_slice %arg4[%add3A, %run_scoped3A_5, %dma_wait3A_91, %dma_wait3A_92] : memref<32x2x40x128xi32, #tpu.memory_space<hbm>> -> memref<1x1x40x128xi32, #tpu.memory_space<hbm>>
      %dma_wait3A_94 = tpu.memref_squeeze %dma_wait3A_93 : memref<1x1x40x128xi32, #tpu.memory_space<hbm>> -> memref<40x128xi32, #tpu.memory_space<hbm>>
      %dma_wait3A_95 = arith.constant 0 : i32
      %dma_wait3A_96 = arith.constant 0 : i32
      %dma_wait3A_97 = tpu.memref_slice %arg4[%add3A, %run_scoped3A_5, %dma_wait3A_95, %dma_wait3A_96] : memref<32x2x40x128xi32, #tpu.memory_space<hbm>> -> memref<1x1x40x128xi32, #tpu.memory_space<hbm>>
      %dma_wait3A_98 = tpu.memref_squeeze %dma_wait3A_97 : memref<1x1x40x128xi32, #tpu.memory_space<hbm>> -> memref<40x128xi32, #tpu.memory_space<hbm>>
      tpu.wait_dma2 semaphore(%run_scoped3A_82 : memref<!tpu.dma_semaphore, #tpu.memory_space<semaphore_mem>>) src(%dma_wait3A_98 : memref<40x128xi32, #tpu.memory_space<hbm>>) dst(%arg9 : memref<40x128xi32, #tpu.memory_space<vmem>>)
      tpu.yield
    }) : () -> ()
    %dma_start3A = arith.constant 0 : i32
    %dma_start3A_6 = arith.constant 0 : i32
    %dma_start3A_7 = tpu.memref_slice %arg8[%dma_start3A, %dma_start3A_6] : memref<40x128xi32, #tpu.memory_space<vmem>> -> memref<1x128xi32, #tpu.memory_space<vmem>>
    %dma_start3A_8 = tpu.memref_squeeze %dma_start3A_7 : memref<1x128xi32, #tpu.memory_space<vmem>> -> memref<128xi32, #tpu.memory_space<vmem>>
    %dma_start3A_9 = arith.constant 0 : i32
    %dma_start3A_10 = arith.constant 0 : i32
    %dma_start3A_11 = tpu.memref_slice %arg2[%dma_start3A_9, %dma_start3A_10] : memref<10000x128xf32, #tpu.memory_space<hbm>> -> memref<10000x128xf32, #tpu.memory_space<hbm>>
    tpu.enqueue_indirect_dma source(%dma_start3A_11 : memref<10000x128xf32, #tpu.memory_space<hbm>>) target(%arg10 : memref<128x128xf32, #tpu.memory_space<vmem>>) offsets(%dma_start3A_8 : memref<128xi32, #tpu.memory_space<vmem>>) semaphore(%arg12 : memref<!tpu.dma_semaphore, #tpu.memory_space<semaphore_mem>>)
    %dma_start3A_12 = arith.constant 1 : i32
    %dma_start3A_13 = arith.constant 0 : i32
    %dma_start3A_14 = tpu.memref_slice %arg8[%dma_start3A_12, %dma_start3A_13] : memref<40x128xi32, #tpu.memory_space<vmem>> -> memref<1x128xi32, #tpu.memory_space<vmem>>
    %dma_start3A_15 = tpu.memref_squeeze %dma_start3A_14 : memref<1x128xi32, #tpu.memory_space<vmem>> -> memref<128xi32, #tpu.memory_space<vmem>>
    %dma_start3A_16 = arith.constant 0 : i32
    %dma_start3A_17 = arith.constant 0 : i32
    %dma_start3A_18 = tpu.memref_slice %arg2[%dma_start3A_16, %dma_start3A_17] : memref<10000x128xf32, #tpu.memory_space<hbm>> -> memref<10000x128xf32, #tpu.memory_space<hbm>>
    tpu.enqueue_indirect_dma source(%dma_start3A_18 : memref<10000x128xf32, #tpu.memory_space<hbm>>) target(%arg11 : memref<128x128xf32, #tpu.memory_space<vmem>>) offsets(%dma_start3A_15 : memref<128xi32, #tpu.memory_space<vmem>>) semaphore(%arg13 : memref<!tpu.dma_semaphore, #tpu.memory_space<semaphore_mem>>)
    %scan3A = arith.constant 0 : i32
    %scan3A_19 = arith.constant 0 : i32
    %scan3A_20 = arith.constant 19 : i32
    %scan3A_21 = arith.addi %scan3A_19, %scan3A_20 : i32
    %scan3A_22 = arith.constant 1 : i32
    scf.for %scan3A_82 = %scan3A_19 to %scan3A_21 step %scan3A_22  : i32 {
      %mul3A_83 = arith.constant 2 : i32
      %mul3A_84 = arith.muli %mul3A_83, %scan3A_82 : i32
      %dma_wait3A_85 = arith.constant 0 : i32
      %dma_wait3A_86 = tpu.memref_slice %arg8[%mul3A_84, %dma_wait3A_85] : memref<40x128xi32, #tpu.memory_space<vmem>> -> memref<1x128xi32, #tpu.memory_space<vmem>>
      %dma_wait3A_87 = tpu.memref_squeeze %dma_wait3A_86 : memref<1x128xi32, #tpu.memory_space<vmem>> -> memref<128xi32, #tpu.memory_space<vmem>>
      %dma_wait3A_88 = arith.constant 0 : i32
      %dma_wait3A_89 = arith.constant 0 : i32
      %dma_wait3A_90 = tpu.memref_slice %arg2[%dma_wait3A_88, %dma_wait3A_89] : memref<10000x128xf32, #tpu.memory_space<hbm>> -> memref<10000x128xf32, #tpu.memory_space<hbm>>
      tpu.wait_indirect_dma semaphore(%arg12 : memref<!tpu.dma_semaphore, #tpu.memory_space<semaphore_mem>>) src(%dma_wait3A_90 : memref<10000x128xf32, #tpu.memory_space<hbm>>) dst(%arg10 : memref<128x128xf32, #tpu.memory_space<vmem>>)
      "tpu.region"() ({
        %run_scoped3A_117 = tpu.sem_alloc : memref<!tpu.dma_semaphore, #tpu.memory_space<semaphore_mem>>
        %dma_start3A_118 = arith.constant 0 : i32
        %dma_start3A_119 = tpu.memref_slice %arg9[%mul3A_84, %dma_start3A_118] : memref<40x128xi32, #tpu.memory_space<vmem>> -> memref<1x128xi32, #tpu.memory_space<vmem>>
        %dma_start3A_120 = tpu.memref_squeeze %dma_start3A_119 : memref<1x128xi32, #tpu.memory_space<vmem>> -> memref<128xi32, #tpu.memory_space<vmem>>
        %dma_start3A_121 = arith.constant 0 : i32
        %dma_start3A_122 = arith.constant 0 : i32
        %dma_start3A_123 = tpu.memref_slice %arg7[%dma_start3A_121, %dma_start3A_122] : memref<10112x128xf32, #tpu.memory_space<vmem_shared>> -> memref<10112x128xf32, #tpu.memory_space<vmem_shared>>
        tpu.enqueue_indirect_dma source(%arg10 : memref<128x128xf32, #tpu.memory_space<vmem>>) target(%dma_start3A_123 : memref<10112x128xf32, #tpu.memory_space<vmem_shared>>) offsets(%dma_start3A_120 : memref<128xi32, #tpu.memory_space<vmem>>) semaphore(%run_scoped3A_117 : memref<!tpu.dma_semaphore, #tpu.memory_space<semaphore_mem>>) {add = true}
        %dma_wait3A_124 = arith.constant 0 : i32
        %dma_wait3A_125 = tpu.memref_slice %arg9[%mul3A_84, %dma_wait3A_124] : memref<40x128xi32, #tpu.memory_space<vmem>> -> memref<1x128xi32, #tpu.memory_space<vmem>>
        %dma_wait3A_126 = tpu.memref_squeeze %dma_wait3A_125 : memref<1x128xi32, #tpu.memory_space<vmem>> -> memref<128xi32, #tpu.memory_space<vmem>>
        %dma_wait3A_127 = arith.constant 0 : i32
        %dma_wait3A_128 = arith.constant 0 : i32
        %dma_wait3A_129 = tpu.memref_slice %arg7[%dma_wait3A_127, %dma_wait3A_128] : memref<10112x128xf32, #tpu.memory_space<vmem_shared>> -> memref<10112x128xf32, #tpu.memory_space<vmem_shared>>
        tpu.wait_indirect_dma semaphore(%run_scoped3A_117 : memref<!tpu.dma_semaphore, #tpu.memory_space<semaphore_mem>>) src(%arg10 : memref<128x128xf32, #tpu.memory_space<vmem>>) dst(%dma_wait3A_129 : memref<10112x128xf32, #tpu.memory_space<vmem_shared>>)
        tpu.yield
      }) : () -> ()
      %add3A_91 = arith.constant 2 : i32
      %add3A_92 = arith.addi %mul3A_84, %add3A_91 : i32
      %dma_start3A_93 = arith.constant 0 : i32
      %dma_start3A_94 = tpu.memref_slice %arg8[%add3A_92, %dma_start3A_93] : memref<40x128xi32, #tpu.memory_space<vmem>> -> memref<1x128xi32, #tpu.memory_space<vmem>>
      %dma_start3A_95 = tpu.memref_squeeze %dma_start3A_94 : memref<1x128xi32, #tpu.memory_space<vmem>> -> memref<128xi32, #tpu.memory_space<vmem>>
      %dma_start3A_96 = arith.constant 0 : i32
      %dma_start3A_97 = arith.constant 0 : i32
      %dma_start3A_98 = tpu.memref_slice %arg2[%dma_start3A_96, %dma_start3A_97] : memref<10000x128xf32, #tpu.memory_space<hbm>> -> memref<10000x128xf32, #tpu.memory_space<hbm>>
      tpu.enqueue_indirect_dma source(%dma_start3A_98 : memref<10000x128xf32, #tpu.memory_space<hbm>>) target(%arg10 : memref<128x128xf32, #tpu.memory_space<vmem>>) offsets(%dma_start3A_95 : memref<128xi32, #tpu.memory_space<vmem>>) semaphore(%arg12 : memref<!tpu.dma_semaphore, #tpu.memory_space<semaphore_mem>>)
      %add3A_99 = arith.constant 1 : i32
      %add3A_100 = arith.addi %mul3A_84, %add3A_99 : i32
      %dma_wait3A_101 = arith.constant 0 : i32
      %dma_wait3A_102 = tpu.memref_slice %arg8[%add3A_100, %dma_wait3A_101] : memref<40x128xi32, #tpu.memory_space<vmem>> -> memref<1x128xi32, #tpu.memory_space<vmem>>
      %dma_wait3A_103 = tpu.memref_squeeze %dma_wait3A_102 : memref<1x128xi32, #tpu.memory_space<vmem>> -> memref<128xi32, #tpu.memory_space<vmem>>
      %dma_wait3A_104 = arith.constant 0 : i32
      %dma_wait3A_105 = arith.constant 0 : i32
      %dma_wait3A_106 = tpu.memref_slice %arg2[%dma_wait3A_104, %dma_wait3A_105] : memref<10000x128xf32, #tpu.memory_space<hbm>> -> memref<10000x128xf32, #tpu.memory_space<hbm>>
      tpu.wait_indirect_dma semaphore(%arg13 : memref<!tpu.dma_semaphore, #tpu.memory_space<semaphore_mem>>) src(%dma_wait3A_106 : memref<10000x128xf32, #tpu.memory_space<hbm>>) dst(%arg11 : memref<128x128xf32, #tpu.memory_space<vmem>>)
      %add3A_107 = arith.constant 1 : i32
      %add3A_108 = arith.addi %mul3A_84, %add3A_107 : i32
      "tpu.region"() ({
        %run_scoped3A_117 = tpu.sem_alloc : memref<!tpu.dma_semaphore, #tpu.memory_space<semaphore_mem>>
        %dma_start3A_118 = arith.constant 0 : i32
        %dma_start3A_119 = tpu.memref_slice %arg9[%add3A_108, %dma_start3A_118] : memref<40x128xi32, #tpu.memory_space<vmem>> -> memref<1x128xi32, #tpu.memory_space<vmem>>
        %dma_start3A_120 = tpu.memref_squeeze %dma_start3A_119 : memref<1x128xi32, #tpu.memory_space<vmem>> -> memref<128xi32, #tpu.memory_space<vmem>>
        %dma_start3A_121 = arith.constant 0 : i32
        %dma_start3A_122 = arith.constant 0 : i32
        %dma_start3A_123 = tpu.memref_slice %arg7[%dma_start3A_121, %dma_start3A_122] : memref<10112x128xf32, #tpu.memory_space<vmem_shared>> -> memref<10112x128xf32, #tpu.memory_space<vmem_shared>>
        tpu.enqueue_indirect_dma source(%arg11 : memref<128x128xf32, #tpu.memory_space<vmem>>) target(%dma_start3A_123 : memref<10112x128xf32, #tpu.memory_space<vmem_shared>>) offsets(%dma_start3A_120 : memref<128xi32, #tpu.memory_space<vmem>>) semaphore(%run_scoped3A_117 : memref<!tpu.dma_semaphore, #tpu.memory_space<semaphore_mem>>) {add = true}
        %dma_wait3A_124 = arith.constant 0 : i32
        %dma_wait3A_125 = tpu.memref_slice %arg9[%add3A_108, %dma_wait3A_124] : memref<40x128xi32, #tpu.memory_space<vmem>> -> memref<1x128xi32, #tpu.memory_space<vmem>>
        %dma_wait3A_126 = tpu.memref_squeeze %dma_wait3A_125 : memref<1x128xi32, #tpu.memory_space<vmem>> -> memref<128xi32, #tpu.memory_space<vmem>>
        %dma_wait3A_127 = arith.constant 0 : i32
        %dma_wait3A_128 = arith.constant 0 : i32
        %dma_wait3A_129 = tpu.memref_slice %arg7[%dma_wait3A_127, %dma_wait3A_128] : memref<10112x128xf32, #tpu.memory_space<vmem_shared>> -> memref<10112x128xf32, #tpu.memory_space<vmem_shared>>
        tpu.wait_indirect_dma semaphore(%run_scoped3A_117 : memref<!tpu.dma_semaphore, #tpu.memory_space<semaphore_mem>>) src(%arg11 : memref<128x128xf32, #tpu.memory_space<vmem>>) dst(%dma_wait3A_129 : memref<10112x128xf32, #tpu.memory_space<vmem_shared>>)
        tpu.yield
      }) : () -> ()
      %add3A_109 = arith.constant 3 : i32
      %add3A_110 = arith.addi %mul3A_84, %add3A_109 : i32
      %dma_start3A_111 = arith.constant 0 : i32
      %dma_start3A_112 = tpu.memref_slice %arg8[%add3A_110, %dma_start3A_111] : memref<40x128xi32, #tpu.memory_space<vmem>> -> memref<1x128xi32, #tpu.memory_space<vmem>>
      %dma_start3A_113 = tpu.memref_squeeze %dma_start3A_112 : memref<1x128xi32, #tpu.memory_space<vmem>> -> memref<128xi32, #tpu.memory_space<vmem>>
      %dma_start3A_114 = arith.constant 0 : i32
      %dma_start3A_115 = arith.constant 0 : i32
      %dma_start3A_116 = tpu.memref_slice %arg2[%dma_start3A_114, %dma_start3A_115] : memref<10000x128xf32, #tpu.memory_space<hbm>> -> memref<10000x128xf32, #tpu.memory_space<hbm>>
      tpu.enqueue_indirect_dma source(%dma_start3A_116 : memref<10000x128xf32, #tpu.memory_space<hbm>>) target(%arg11 : memref<128x128xf32, #tpu.memory_space<vmem>>) offsets(%dma_start3A_113 : memref<128xi32, #tpu.memory_space<vmem>>) semaphore(%arg13 : memref<!tpu.dma_semaphore, #tpu.memory_space<semaphore_mem>>)
    }
    %scan3A_23 = arith.constant 19 : i32
    %dma_wait3A = arith.constant 38 : i32
    %dma_wait3A_24 = arith.constant 0 : i32
    %dma_wait3A_25 = tpu.memref_slice %arg8[%dma_wait3A, %dma_wait3A_24] : memref<40x128xi32, #tpu.memory_space<vmem>> -> memref<1x128xi32, #tpu.memory_space<vmem>>
    %dma_wait3A_26 = tpu.memref_squeeze %dma_wait3A_25 : memref<1x128xi32, #tpu.memory_space<vmem>> -> memref<128xi32, #tpu.memory_space<vmem>>
    %dma_wait3A_27 = arith.constant 0 : i32
    %dma_wait3A_28 = arith.constant 0 : i32
    %dma_wait3A_29 = tpu.memref_slice %arg2[%dma_wait3A_27, %dma_wait3A_28] : memref<10000x128xf32, #tpu.memory_space<hbm>> -> memref<10000x128xf32, #tpu.memory_space<hbm>>
    tpu.wait_indirect_dma semaphore(%arg12 : memref<!tpu.dma_semaphore, #tpu.memory_space<semaphore_mem>>) src(%dma_wait3A_29 : memref<10000x128xf32, #tpu.memory_space<hbm>>) dst(%arg10 : memref<128x128xf32, #tpu.memory_space<vmem>>)
    %run_scoped3A_30 = arith.constant 38 : i32
    "tpu.region"() ({
      %run_scoped3A_82 = tpu.sem_alloc : memref<!tpu.dma_semaphore, #tpu.memory_space<semaphore_mem>>
      %dma_start3A_83 = arith.constant 0 : i32
      %dma_start3A_84 = tpu.memref_slice %arg9[%run_scoped3A_30, %dma_start3A_83] : memref<40x128xi32, #tpu.memory_space<vmem>> -> memref<1x128xi32, #tpu.memory_space<vmem>>
      %dma_start3A_85 = tpu.memref_squeeze %dma_start3A_84 : memref<1x128xi32, #tpu.memory_space<vmem>> -> memref<128xi32, #tpu.memory_space<vmem>>
      %dma_start3A_86 = arith.constant 0 : i32
      %dma_start3A_87 = arith.constant 0 : i32
      %dma_start3A_88 = tpu.memref_slice %arg7[%dma_start3A_86, %dma_start3A_87] : memref<10112x128xf32, #tpu.memory_space<vmem_shared>> -> memref<10112x128xf32, #tpu.memory_space<vmem_shared>>
      tpu.enqueue_indirect_dma source(%arg10 : memref<128x128xf32, #tpu.memory_space<vmem>>) target(%dma_start3A_88 : memref<10112x128xf32, #tpu.memory_space<vmem_shared>>) offsets(%dma_start3A_85 : memref<128xi32, #tpu.memory_space<vmem>>) semaphore(%run_scoped3A_82 : memref<!tpu.dma_semaphore, #tpu.memory_space<semaphore_mem>>) {add = true}
      %dma_wait3A_89 = arith.constant 0 : i32
      %dma_wait3A_90 = tpu.memref_slice %arg9[%run_scoped3A_30, %dma_wait3A_89] : memref<40x128xi32, #tpu.memory_space<vmem>> -> memref<1x128xi32, #tpu.memory_space<vmem>>
      %dma_wait3A_91 = tpu.memref_squeeze %dma_wait3A_90 : memref<1x128xi32, #tpu.memory_space<vmem>> -> memref<128xi32, #tpu.memory_space<vmem>>
      %dma_wait3A_92 = arith.constant 0 : i32
      %dma_wait3A_93 = arith.constant 0 : i32
      %dma_wait3A_94 = tpu.memref_slice %arg7[%dma_wait3A_92, %dma_wait3A_93] : memref<10112x128xf32, #tpu.memory_space<vmem_shared>> -> memref<10112x128xf32, #tpu.memory_space<vmem_shared>>
      tpu.wait_indirect_dma semaphore(%run_scoped3A_82 : memref<!tpu.dma_semaphore, #tpu.memory_space<semaphore_mem>>) src(%arg10 : memref<128x128xf32, #tpu.memory_space<vmem>>) dst(%dma_wait3A_94 : memref<10112x128xf32, #tpu.memory_space<vmem_shared>>)
      tpu.yield
    }) : () -> ()
    %dma_wait3A_31 = arith.constant 39 : i32
    %dma_wait3A_32 = arith.constant 0 : i32
    %dma_wait3A_33 = tpu.memref_slice %arg8[%dma_wait3A_31, %dma_wait3A_32] : memref<40x128xi32, #tpu.memory_space<vmem>> -> memref<1x128xi32, #tpu.memory_space<vmem>>
    %dma_wait3A_34 = tpu.memref_squeeze %dma_wait3A_33 : memref<1x128xi32, #tpu.memory_space<vmem>> -> memref<128xi32, #tpu.memory_space<vmem>>
    %dma_wait3A_35 = arith.constant 0 : i32
    %dma_wait3A_36 = arith.constant 0 : i32
    %dma_wait3A_37 = tpu.memref_slice %arg2[%dma_wait3A_35, %dma_wait3A_36] : memref<10000x128xf32, #tpu.memory_space<hbm>> -> memref<10000x128xf32, #tpu.memory_space<hbm>>
    tpu.wait_indirect_dma semaphore(%arg13 : memref<!tpu.dma_semaphore, #tpu.memory_space<semaphore_mem>>) src(%dma_wait3A_37 : memref<10000x128xf32, #tpu.memory_space<hbm>>) dst(%arg11 : memref<128x128xf32, #tpu.memory_space<vmem>>)
    %run_scoped3A_38 = arith.constant 39 : i32
    "tpu.region"() ({
      %run_scoped3A_82 = tpu.sem_alloc : memref<!tpu.dma_semaphore, #tpu.memory_space<semaphore_mem>>
      %dma_start3A_83 = arith.constant 0 : i32
      %dma_start3A_84 = tpu.memref_slice %arg9[%run_scoped3A_38, %dma_start3A_83] : memref<40x128xi32, #tpu.memory_space<vmem>> -> memref<1x128xi32, #tpu.memory_space<vmem>>
      %dma_start3A_85 = tpu.memref_squeeze %dma_start3A_84 : memref<1x128xi32, #tpu.memory_space<vmem>> -> memref<128xi32, #tpu.memory_space<vmem>>
      %dma_start3A_86 = arith.constant 0 : i32
      %dma_start3A_87 = arith.constant 0 : i32
      %dma_start3A_88 = tpu.memref_slice %arg7[%dma_start3A_86, %dma_start3A_87] : memref<10112x128xf32, #tpu.memory_space<vmem_shared>> -> memref<10112x128xf32, #tpu.memory_space<vmem_shared>>
      tpu.enqueue_indirect_dma source(%arg11 : memref<128x128xf32, #tpu.memory_space<vmem>>) target(%dma_start3A_88 : memref<10112x128xf32, #tpu.memory_space<vmem_shared>>) offsets(%dma_start3A_85 : memref<128xi32, #tpu.memory_space<vmem>>) semaphore(%run_scoped3A_82 : memref<!tpu.dma_semaphore, #tpu.memory_space<semaphore_mem>>) {add = true}
      %dma_wait3A_89 = arith.constant 0 : i32
      %dma_wait3A_90 = tpu.memref_slice %arg9[%run_scoped3A_38, %dma_wait3A_89] : memref<40x128xi32, #tpu.memory_space<vmem>> -> memref<1x128xi32, #tpu.memory_space<vmem>>
      %dma_wait3A_91 = tpu.memref_squeeze %dma_wait3A_90 : memref<1x128xi32, #tpu.memory_space<vmem>> -> memref<128xi32, #tpu.memory_space<vmem>>
      %dma_wait3A_92 = arith.constant 0 : i32
      %dma_wait3A_93 = arith.constant 0 : i32
      %dma_wait3A_94 = tpu.memref_slice %arg7[%dma_wait3A_92, %dma_wait3A_93] : memref<10112x128xf32, #tpu.memory_space<vmem_shared>> -> memref<10112x128xf32, #tpu.memory_space<vmem_shared>>
      tpu.wait_indirect_dma semaphore(%run_scoped3A_82 : memref<!tpu.dma_semaphore, #tpu.memory_space<semaphore_mem>>) src(%arg11 : memref<128x128xf32, #tpu.memory_space<vmem>>) dst(%dma_wait3A_94 : memref<10112x128xf32, #tpu.memory_space<vmem_shared>>)
      tpu.yield
    }) : () -> ()
    %run_scoped3A_39 = arith.constant 1 : i32
    "tpu.region"() ({
      %run_scoped3A_82 = tpu.sem_alloc : memref<!tpu.dma_semaphore, #tpu.memory_space<semaphore_mem>>
      %dma_start3A_83 = arith.constant 0 : i32
      %dma_start3A_84 = arith.constant 0 : i32
      %dma_start3A_85 = tpu.memref_slice %arg3[%add3A, %run_scoped3A_39, %dma_start3A_83, %dma_start3A_84] : memref<32x2x40x128xi32, #tpu.memory_space<hbm>> -> memref<1x1x40x128xi32, #tpu.memory_space<hbm>>
      %dma_start3A_86 = tpu.memref_squeeze %dma_start3A_85 : memref<1x1x40x128xi32, #tpu.memory_space<hbm>> -> memref<40x128xi32, #tpu.memory_space<hbm>>
      %dma_start3A_87 = arith.constant 0 : i32
      %dma_start3A_88 = arith.constant 0 : i32
      %dma_start3A_89 = tpu.memref_slice %arg3[%add3A, %run_scoped3A_39, %dma_start3A_87, %dma_start3A_88] : memref<32x2x40x128xi32, #tpu.memory_space<hbm>> -> memref<1x1x40x128xi32, #tpu.memory_space<hbm>>
      %dma_start3A_90 = tpu.memref_squeeze %dma_start3A_89 : memref<1x1x40x128xi32, #tpu.memory_space<hbm>> -> memref<40x128xi32, #tpu.memory_space<hbm>>
      tpu.enqueue_dma source(%dma_start3A_90 : memref<40x128xi32, #tpu.memory_space<hbm>>) target(%arg8 : memref<40x128xi32, #tpu.memory_space<vmem>>) target_semaphore(%run_scoped3A_82 : memref<!tpu.dma_semaphore, #tpu.memory_space<semaphore_mem>>)
      %dma_wait3A_91 = arith.constant 0 : i32
      %dma_wait3A_92 = arith.constant 0 : i32
      %dma_wait3A_93 = tpu.memref_slice %arg3[%add3A, %run_scoped3A_39, %dma_wait3A_91, %dma_wait3A_92] : memref<32x2x40x128xi32, #tpu.memory_space<hbm>> -> memref<1x1x40x128xi32, #tpu.memory_space<hbm>>
      %dma_wait3A_94 = tpu.memref_squeeze %dma_wait3A_93 : memref<1x1x40x128xi32, #tpu.memory_space<hbm>> -> memref<40x128xi32, #tpu.memory_space<hbm>>
      %dma_wait3A_95 = arith.constant 0 : i32
      %dma_wait3A_96 = arith.constant 0 : i32
      %dma_wait3A_97 = tpu.memref_slice %arg3[%add3A, %run_scoped3A_39, %dma_wait3A_95, %dma_wait3A_96] : memref<32x2x40x128xi32, #tpu.memory_space<hbm>> -> memref<1x1x40x128xi32, #tpu.memory_space<hbm>>
      %dma_wait3A_98 = tpu.memref_squeeze %dma_wait3A_97 : memref<1x1x40x128xi32, #tpu.memory_space<hbm>> -> memref<40x128xi32, #tpu.memory_space<hbm>>
      tpu.wait_dma2 semaphore(%run_scoped3A_82 : memref<!tpu.dma_semaphore, #tpu.memory_space<semaphore_mem>>) src(%dma_wait3A_98 : memref<40x128xi32, #tpu.memory_space<hbm>>) dst(%arg8 : memref<40x128xi32, #tpu.memory_space<vmem>>)
      tpu.yield
    }) : () -> ()
    %run_scoped3A_40 = arith.constant 1 : i32
    "tpu.region"() ({
      %run_scoped3A_82 = tpu.sem_alloc : memref<!tpu.dma_semaphore, #tpu.memory_space<semaphore_mem>>
      %dma_start3A_83 = arith.constant 0 : i32
      %dma_start3A_84 = arith.constant 0 : i32
      %dma_start3A_85 = tpu.memref_slice %arg4[%add3A, %run_scoped3A_40, %dma_start3A_83, %dma_start3A_84] : memref<32x2x40x128xi32, #tpu.memory_space<hbm>> -> memref<1x1x40x128xi32, #tpu.memory_space<hbm>>
      %dma_start3A_86 = tpu.memref_squeeze %dma_start3A_85 : memref<1x1x40x128xi32, #tpu.memory_space<hbm>> -> memref<40x128xi32, #tpu.memory_space<hbm>>
      %dma_start3A_87 = arith.constant 0 : i32
      %dma_start3A_88 = arith.constant 0 : i32
      %dma_start3A_89 = tpu.memref_slice %arg4[%add3A, %run_scoped3A_40, %dma_start3A_87, %dma_start3A_88] : memref<32x2x40x128xi32, #tpu.memory_space<hbm>> -> memref<1x1x40x128xi32, #tpu.memory_space<hbm>>
      %dma_start3A_90 = tpu.memref_squeeze %dma_start3A_89 : memref<1x1x40x128xi32, #tpu.memory_space<hbm>> -> memref<40x128xi32, #tpu.memory_space<hbm>>
      tpu.enqueue_dma source(%dma_start3A_90 : memref<40x128xi32, #tpu.memory_space<hbm>>) target(%arg9 : memref<40x128xi32, #tpu.memory_space<vmem>>) target_semaphore(%run_scoped3A_82 : memref<!tpu.dma_semaphore, #tpu.memory_space<semaphore_mem>>)
      %dma_wait3A_91 = arith.constant 0 : i32
      %dma_wait3A_92 = arith.constant 0 : i32
      %dma_wait3A_93 = tpu.memref_slice %arg4[%add3A, %run_scoped3A_40, %dma_wait3A_91, %dma_wait3A_92] : memref<32x2x40x128xi32, #tpu.memory_space<hbm>> -> memref<1x1x40x128xi32, #tpu.memory_space<hbm>>
      %dma_wait3A_94 = tpu.memref_squeeze %dma_wait3A_93 : memref<1x1x40x128xi32, #tpu.memory_space<hbm>> -> memref<40x128xi32, #tpu.memory_space<hbm>>
      %dma_wait3A_95 = arith.constant 0 : i32
      %dma_wait3A_96 = arith.constant 0 : i32
      %dma_wait3A_97 = tpu.memref_slice %arg4[%add3A, %run_scoped3A_40, %dma_wait3A_95, %dma_wait3A_96] : memref<32x2x40x128xi32, #tpu.memory_space<hbm>> -> memref<1x1x40x128xi32, #tpu.memory_space<hbm>>
      %dma_wait3A_98 = tpu.memref_squeeze %dma_wait3A_97 : memref<1x1x40x128xi32, #tpu.memory_space<hbm>> -> memref<40x128xi32, #tpu.memory_space<hbm>>
      tpu.wait_dma2 semaphore(%run_scoped3A_82 : memref<!tpu.dma_semaphore, #tpu.memory_space<semaphore_mem>>) src(%dma_wait3A_98 : memref<40x128xi32, #tpu.memory_space<hbm>>) dst(%arg9 : memref<40x128xi32, #tpu.memory_space<vmem>>)
      tpu.yield
    }) : () -> ()
    %dma_start3A_41 = arith.constant 0 : i32
    %dma_start3A_42 = arith.constant 0 : i32
    %dma_start3A_43 = tpu.memref_slice %arg8[%dma_start3A_41, %dma_start3A_42] : memref<40x128xi32, #tpu.memory_space<vmem>> -> memref<1x128xi32, #tpu.memory_space<vmem>>
    %dma_start3A_44 = tpu.memref_squeeze %dma_start3A_43 : memref<1x128xi32, #tpu.memory_space<vmem>> -> memref<128xi32, #tpu.memory_space<vmem>>
    %dma_start3A_45 = arith.constant 0 : i32
    %dma_start3A_46 = arith.constant 0 : i32
    %dma_start3A_47 = tpu.memref_slice %arg2[%dma_start3A_45, %dma_start3A_46] : memref<10000x128xf32, #tpu.memory_space<hbm>> -> memref<10000x128xf32, #tpu.memory_space<hbm>>
    tpu.enqueue_indirect_dma source(%dma_start3A_47 : memref<10000x128xf32, #tpu.memory_space<hbm>>) target(%arg10 : memref<128x128xf32, #tpu.memory_space<vmem>>) offsets(%dma_start3A_44 : memref<128xi32, #tpu.memory_space<vmem>>) semaphore(%arg12 : memref<!tpu.dma_semaphore, #tpu.memory_space<semaphore_mem>>)
    %dma_start3A_48 = arith.constant 1 : i32
    %dma_start3A_49 = arith.constant 0 : i32
    %dma_start3A_50 = tpu.memref_slice %arg8[%dma_start3A_48, %dma_start3A_49] : memref<40x128xi32, #tpu.memory_space<vmem>> -> memref<1x128xi32, #tpu.memory_space<vmem>>
    %dma_start3A_51 = tpu.memref_squeeze %dma_start3A_50 : memref<1x128xi32, #tpu.memory_space<vmem>> -> memref<128xi32, #tpu.memory_space<vmem>>
    %dma_start3A_52 = arith.constant 0 : i32
    %dma_start3A_53 = arith.constant 0 : i32
    %dma_start3A_54 = tpu.memref_slice %arg2[%dma_start3A_52, %dma_start3A_53] : memref<10000x128xf32, #tpu.memory_space<hbm>> -> memref<10000x128xf32, #tpu.memory_space<hbm>>
    tpu.enqueue_indirect_dma source(%dma_start3A_54 : memref<10000x128xf32, #tpu.memory_space<hbm>>) target(%arg11 : memref<128x128xf32, #tpu.memory_space<vmem>>) offsets(%dma_start3A_51 : memref<128xi32, #tpu.memory_space<vmem>>) semaphore(%arg13 : memref<!tpu.dma_semaphore, #tpu.memory_space<semaphore_mem>>)
    %scan3A_55 = arith.constant 0 : i32
    %scan3A_56 = arith.constant 0 : i32
    %scan3A_57 = arith.constant 19 : i32
    %scan3A_58 = arith.addi %scan3A_56, %scan3A_57 : i32
    %scan3A_59 = arith.constant 1 : i32
    scf.for %scan3A_82 = %scan3A_56 to %scan3A_58 step %scan3A_59  : i32 {
      %mul3A_83 = arith.constant 2 : i32
      %mul3A_84 = arith.muli %mul3A_83, %scan3A_82 : i32
      %dma_wait3A_85 = arith.constant 0 : i32
      %dma_wait3A_86 = tpu.memref_slice %arg8[%mul3A_84, %dma_wait3A_85] : memref<40x128xi32, #tpu.memory_space<vmem>> -> memref<1x128xi32, #tpu.memory_space<vmem>>
      %dma_wait3A_87 = tpu.memref_squeeze %dma_wait3A_86 : memref<1x128xi32, #tpu.memory_space<vmem>> -> memref<128xi32, #tpu.memory_space<vmem>>
      %dma_wait3A_88 = arith.constant 0 : i32
      %dma_wait3A_89 = arith.constant 0 : i32
      %dma_wait3A_90 = tpu.memref_slice %arg2[%dma_wait3A_88, %dma_wait3A_89] : memref<10000x128xf32, #tpu.memory_space<hbm>> -> memref<10000x128xf32, #tpu.memory_space<hbm>>
      tpu.wait_indirect_dma semaphore(%arg12 : memref<!tpu.dma_semaphore, #tpu.memory_space<semaphore_mem>>) src(%dma_wait3A_90 : memref<10000x128xf32, #tpu.memory_space<hbm>>) dst(%arg10 : memref<128x128xf32, #tpu.memory_space<vmem>>)
      "tpu.region"() ({
        %run_scoped3A_117 = tpu.sem_alloc : memref<!tpu.dma_semaphore, #tpu.memory_space<semaphore_mem>>
        %dma_start3A_118 = arith.constant 0 : i32
        %dma_start3A_119 = tpu.memref_slice %arg9[%mul3A_84, %dma_start3A_118] : memref<40x128xi32, #tpu.memory_space<vmem>> -> memref<1x128xi32, #tpu.memory_space<vmem>>
        %dma_start3A_120 = tpu.memref_squeeze %dma_start3A_119 : memref<1x128xi32, #tpu.memory_space<vmem>> -> memref<128xi32, #tpu.memory_space<vmem>>
        %dma_start3A_121 = arith.constant 0 : i32
        %dma_start3A_122 = arith.constant 0 : i32
        %dma_start3A_123 = tpu.memref_slice %arg7[%dma_start3A_121, %dma_start3A_122] : memref<10112x128xf32, #tpu.memory_space<vmem_shared>> -> memref<10112x128xf32, #tpu.memory_space<vmem_shared>>
        tpu.enqueue_indirect_dma source(%arg10 : memref<128x128xf32, #tpu.memory_space<vmem>>) target(%dma_start3A_123 : memref<10112x128xf32, #tpu.memory_space<vmem_shared>>) offsets(%dma_start3A_120 : memref<128xi32, #tpu.memory_space<vmem>>) semaphore(%run_scoped3A_117 : memref<!tpu.dma_semaphore, #tpu.memory_space<semaphore_mem>>) {add = true}
        %dma_wait3A_124 = arith.constant 0 : i32
        %dma_wait3A_125 = tpu.memref_slice %arg9[%mul3A_84, %dma_wait3A_124] : memref<40x128xi32, #tpu.memory_space<vmem>> -> memref<1x128xi32, #tpu.memory_space<vmem>>
        %dma_wait3A_126 = tpu.memref_squeeze %dma_wait3A_125 : memref<1x128xi32, #tpu.memory_space<vmem>> -> memref<128xi32, #tpu.memory_space<vmem>>
        %dma_wait3A_127 = arith.constant 0 : i32
        %dma_wait3A_128 = arith.constant 0 : i32
        %dma_wait3A_129 = tpu.memref_slice %arg7[%dma_wait3A_127, %dma_wait3A_128] : memref<10112x128xf32, #tpu.memory_space<vmem_shared>> -> memref<10112x128xf32, #tpu.memory_space<vmem_shared>>
        tpu.wait_indirect_dma semaphore(%run_scoped3A_117 : memref<!tpu.dma_semaphore, #tpu.memory_space<semaphore_mem>>) src(%arg10 : memref<128x128xf32, #tpu.memory_space<vmem>>) dst(%dma_wait3A_129 : memref<10112x128xf32, #tpu.memory_space<vmem_shared>>)
        tpu.yield
      }) : () -> ()
      %add3A_91 = arith.constant 2 : i32
      %add3A_92 = arith.addi %mul3A_84, %add3A_91 : i32
      %dma_start3A_93 = arith.constant 0 : i32
      %dma_start3A_94 = tpu.memref_slice %arg8[%add3A_92, %dma_start3A_93] : memref<40x128xi32, #tpu.memory_space<vmem>> -> memref<1x128xi32, #tpu.memory_space<vmem>>
      %dma_start3A_95 = tpu.memref_squeeze %dma_start3A_94 : memref<1x128xi32, #tpu.memory_space<vmem>> -> memref<128xi32, #tpu.memory_space<vmem>>
      %dma_start3A_96 = arith.constant 0 : i32
      %dma_start3A_97 = arith.constant 0 : i32
      %dma_start3A_98 = tpu.memref_slice %arg2[%dma_start3A_96, %dma_start3A_97] : memref<10000x128xf32, #tpu.memory_space<hbm>> -> memref<10000x128xf32, #tpu.memory_space<hbm>>
      tpu.enqueue_indirect_dma source(%dma_start3A_98 : memref<10000x128xf32, #tpu.memory_space<hbm>>) target(%arg10 : memref<128x128xf32, #tpu.memory_space<vmem>>) offsets(%dma_start3A_95 : memref<128xi32, #tpu.memory_space<vmem>>) semaphore(%arg12 : memref<!tpu.dma_semaphore, #tpu.memory_space<semaphore_mem>>)
      %add3A_99 = arith.constant 1 : i32
      %add3A_100 = arith.addi %mul3A_84, %add3A_99 : i32
      %dma_wait3A_101 = arith.constant 0 : i32
      %dma_wait3A_102 = tpu.memref_slice %arg8[%add3A_100, %dma_wait3A_101] : memref<40x128xi32, #tpu.memory_space<vmem>> -> memref<1x128xi32, #tpu.memory_space<vmem>>
      %dma_wait3A_103 = tpu.memref_squeeze %dma_wait3A_102 : memref<1x128xi32, #tpu.memory_space<vmem>> -> memref<128xi32, #tpu.memory_space<vmem>>
      %dma_wait3A_104 = arith.constant 0 : i32
      %dma_wait3A_105 = arith.constant 0 : i32
      %dma_wait3A_106 = tpu.memref_slice %arg2[%dma_wait3A_104, %dma_wait3A_105] : memref<10000x128xf32, #tpu.memory_space<hbm>> -> memref<10000x128xf32, #tpu.memory_space<hbm>>
      tpu.wait_indirect_dma semaphore(%arg13 : memref<!tpu.dma_semaphore, #tpu.memory_space<semaphore_mem>>) src(%dma_wait3A_106 : memref<10000x128xf32, #tpu.memory_space<hbm>>) dst(%arg11 : memref<128x128xf32, #tpu.memory_space<vmem>>)
      %add3A_107 = arith.constant 1 : i32
      %add3A_108 = arith.addi %mul3A_84, %add3A_107 : i32
      "tpu.region"() ({
        %run_scoped3A_117 = tpu.sem_alloc : memref<!tpu.dma_semaphore, #tpu.memory_space<semaphore_mem>>
        %dma_start3A_118 = arith.constant 0 : i32
        %dma_start3A_119 = tpu.memref_slice %arg9[%add3A_108, %dma_start3A_118] : memref<40x128xi32, #tpu.memory_space<vmem>> -> memref<1x128xi32, #tpu.memory_space<vmem>>
        %dma_start3A_120 = tpu.memref_squeeze %dma_start3A_119 : memref<1x128xi32, #tpu.memory_space<vmem>> -> memref<128xi32, #tpu.memory_space<vmem>>
        %dma_start3A_121 = arith.constant 0 : i32
        %dma_start3A_122 = arith.constant 0 : i32
        %dma_start3A_123 = tpu.memref_slice %arg7[%dma_start3A_121, %dma_start3A_122] : memref<10112x128xf32, #tpu.memory_space<vmem_shared>> -> memref<10112x128xf32, #tpu.memory_space<vmem_shared>>
        tpu.enqueue_indirect_dma source(%arg11 : memref<128x128xf32, #tpu.memory_space<vmem>>) target(%dma_start3A_123 : memref<10112x128xf32, #tpu.memory_space<vmem_shared>>) offsets(%dma_start3A_120 : memref<128xi32, #tpu.memory_space<vmem>>) semaphore(%run_scoped3A_117 : memref<!tpu.dma_semaphore, #tpu.memory_space<semaphore_mem>>) {add = true}
        %dma_wait3A_124 = arith.constant 0 : i32
        %dma_wait3A_125 = tpu.memref_slice %arg9[%add3A_108, %dma_wait3A_124] : memref<40x128xi32, #tpu.memory_space<vmem>> -> memref<1x128xi32, #tpu.memory_space<vmem>>
        %dma_wait3A_126 = tpu.memref_squeeze %dma_wait3A_125 : memref<1x128xi32, #tpu.memory_space<vmem>> -> memref<128xi32, #tpu.memory_space<vmem>>
        %dma_wait3A_127 = arith.constant 0 : i32
        %dma_wait3A_128 = arith.constant 0 : i32
        %dma_wait3A_129 = tpu.memref_slice %arg7[%dma_wait3A_127, %dma_wait3A_128] : memref<10112x128xf32, #tpu.memory_space<vmem_shared>> -> memref<10112x128xf32, #tpu.memory_space<vmem_shared>>
        tpu.wait_indirect_dma semaphore(%run_scoped3A_117 : memref<!tpu.dma_semaphore, #tpu.memory_space<semaphore_mem>>) src(%arg11 : memref<128x128xf32, #tpu.memory_space<vmem>>) dst(%dma_wait3A_129 : memref<10112x128xf32, #tpu.memory_space<vmem_shared>>)
        tpu.yield
      }) : () -> ()
      %add3A_109 = arith.constant 3 : i32
      %add3A_110 = arith.addi %mul3A_84, %add3A_109 : i32
      %dma_start3A_111 = arith.constant 0 : i32
      %dma_start3A_112 = tpu.memref_slice %arg8[%add3A_110, %dma_start3A_111] : memref<40x128xi32, #tpu.memory_space<vmem>> -> memref<1x128xi32, #tpu.memory_space<vmem>>
      %dma_start3A_113 = tpu.memref_squeeze %dma_start3A_112 : memref<1x128xi32, #tpu.memory_space<vmem>> -> memref<128xi32, #tpu.memory_space<vmem>>
      %dma_start3A_114 = arith.constant 0 : i32
      %dma_start3A_115 = arith.constant 0 : i32
      %dma_start3A_116 = tpu.memref_slice %arg2[%dma_start3A_114, %dma_start3A_115] : memref<10000x128xf32, #tpu.memory_space<hbm>> -> memref<10000x128xf32, #tpu.memory_space<hbm>>
      tpu.enqueue_indirect_dma source(%dma_start3A_116 : memref<10000x128xf32, #tpu.memory_space<hbm>>) target(%arg11 : memref<128x128xf32, #tpu.memory_space<vmem>>) offsets(%dma_start3A_113 : memref<128xi32, #tpu.memory_space<vmem>>) semaphore(%arg13 : memref<!tpu.dma_semaphore, #tpu.memory_space<semaphore_mem>>)
    }
    %scan3A_60 = arith.constant 19 : i32
    %dma_wait3A_61 = arith.constant 38 : i32
    %dma_wait3A_62 = arith.constant 0 : i32
    %dma_wait3A_63 = tpu.memref_slice %arg8[%dma_wait3A_61, %dma_wait3A_62] : memref<40x128xi32, #tpu.memory_space<vmem>> -> memref<1x128xi32, #tpu.memory_space<vmem>>
    %dma_wait3A_64 = tpu.memref_squeeze %dma_wait3A_63 : memref<1x128xi32, #tpu.memory_space<vmem>> -> memref<128xi32, #tpu.memory_space<vmem>>
    %dma_wait3A_65 = arith.constant 0 : i32
    %dma_wait3A_66 = arith.constant 0 : i32
    %dma_wait3A_67 = tpu.memref_slice %arg2[%dma_wait3A_65, %dma_wait3A_66] : memref<10000x128xf32, #tpu.memory_space<hbm>> -> memref<10000x128xf32, #tpu.memory_space<hbm>>
    tpu.wait_indirect_dma semaphore(%arg12 : memref<!tpu.dma_semaphore, #tpu.memory_space<semaphore_mem>>) src(%dma_wait3A_67 : memref<10000x128xf32, #tpu.memory_space<hbm>>) dst(%arg10 : memref<128x128xf32, #tpu.memory_space<vmem>>)
    %run_scoped3A_68 = arith.constant 38 : i32
    "tpu.region"() ({
      %run_scoped3A_82 = tpu.sem_alloc : memref<!tpu.dma_semaphore, #tpu.memory_space<semaphore_mem>>
      %dma_start3A_83 = arith.constant 0 : i32
      %dma_start3A_84 = tpu.memref_slice %arg9[%run_scoped3A_68, %dma_start3A_83] : memref<40x128xi32, #tpu.memory_space<vmem>> -> memref<1x128xi32, #tpu.memory_space<vmem>>
      %dma_start3A_85 = tpu.memref_squeeze %dma_start3A_84 : memref<1x128xi32, #tpu.memory_space<vmem>> -> memref<128xi32, #tpu.memory_space<vmem>>
      %dma_start3A_86 = arith.constant 0 : i32
      %dma_start3A_87 = arith.constant 0 : i32
      %dma_start3A_88 = tpu.memref_slice %arg7[%dma_start3A_86, %dma_start3A_87] : memref<10112x128xf32, #tpu.memory_space<vmem_shared>> -> memref<10112x128xf32, #tpu.memory_space<vmem_shared>>
      tpu.enqueue_indirect_dma source(%arg10 : memref<128x128xf32, #tpu.memory_space<vmem>>) target(%dma_start3A_88 : memref<10112x128xf32, #tpu.memory_space<vmem_shared>>) offsets(%dma_start3A_85 : memref<128xi32, #tpu.memory_space<vmem>>) semaphore(%run_scoped3A_82 : memref<!tpu.dma_semaphore, #tpu.memory_space<semaphore_mem>>) {add = true}
      %dma_wait3A_89 = arith.constant 0 : i32
      %dma_wait3A_90 = tpu.memref_slice %arg9[%run_scoped3A_68, %dma_wait3A_89] : memref<40x128xi32, #tpu.memory_space<vmem>> -> memref<1x128xi32, #tpu.memory_space<vmem>>
      %dma_wait3A_91 = tpu.memref_squeeze %dma_wait3A_90 : memref<1x128xi32, #tpu.memory_space<vmem>> -> memref<128xi32, #tpu.memory_space<vmem>>
      %dma_wait3A_92 = arith.constant 0 : i32
      %dma_wait3A_93 = arith.constant 0 : i32
      %dma_wait3A_94 = tpu.memref_slice %arg7[%dma_wait3A_92, %dma_wait3A_93] : memref<10112x128xf32, #tpu.memory_space<vmem_shared>> -> memref<10112x128xf32, #tpu.memory_space<vmem_shared>>
      tpu.wait_indirect_dma semaphore(%run_scoped3A_82 : memref<!tpu.dma_semaphore, #tpu.memory_space<semaphore_mem>>) src(%arg10 : memref<128x128xf32, #tpu.memory_space<vmem>>) dst(%dma_wait3A_94 : memref<10112x128xf32, #tpu.memory_space<vmem_shared>>)
      tpu.yield
    }) : () -> ()
    %dma_wait3A_69 = arith.constant 39 : i32
    %dma_wait3A_70 = arith.constant 0 : i32
    %dma_wait3A_71 = tpu.memref_slice %arg8[%dma_wait3A_69, %dma_wait3A_70] : memref<40x128xi32, #tpu.memory_space<vmem>> -> memref<1x128xi32, #tpu.memory_space<vmem>>
    %dma_wait3A_72 = tpu.memref_squeeze %dma_wait3A_71 : memref<1x128xi32, #tpu.memory_space<vmem>> -> memref<128xi32, #tpu.memory_space<vmem>>
    %dma_wait3A_73 = arith.constant 0 : i32
    %dma_wait3A_74 = arith.constant 0 : i32
    %dma_wait3A_75 = tpu.memref_slice %arg2[%dma_wait3A_73, %dma_wait3A_74] : memref<10000x128xf32, #tpu.memory_space<hbm>> -> memref<10000x128xf32, #tpu.memory_space<hbm>>
    tpu.wait_indirect_dma semaphore(%arg13 : memref<!tpu.dma_semaphore, #tpu.memory_space<semaphore_mem>>) src(%dma_wait3A_75 : memref<10000x128xf32, #tpu.memory_space<hbm>>) dst(%arg11 : memref<128x128xf32, #tpu.memory_space<vmem>>)
    %run_scoped3A_76 = arith.constant 39 : i32
    "tpu.region"() ({
      %run_scoped3A_82 = tpu.sem_alloc : memref<!tpu.dma_semaphore, #tpu.memory_space<semaphore_mem>>
      %dma_start3A_83 = arith.constant 0 : i32
      %dma_start3A_84 = tpu.memref_slice %arg9[%run_scoped3A_76, %dma_start3A_83] : memref<40x128xi32, #tpu.memory_space<vmem>> -> memref<1x128xi32, #tpu.memory_space<vmem>>
      %dma_start3A_85 = tpu.memref_squeeze %dma_start3A_84 : memref<1x128xi32, #tpu.memory_space<vmem>> -> memref<128xi32, #tpu.memory_space<vmem>>
      %dma_start3A_86 = arith.constant 0 : i32
      %dma_start3A_87 = arith.constant 0 : i32
      %dma_start3A_88 = tpu.memref_slice %arg7[%dma_start3A_86, %dma_start3A_87] : memref<10112x128xf32, #tpu.memory_space<vmem_shared>> -> memref<10112x128xf32, #tpu.memory_space<vmem_shared>>
      tpu.enqueue_indirect_dma source(%arg11 : memref<128x128xf32, #tpu.memory_space<vmem>>) target(%dma_start3A_88 : memref<10112x128xf32, #tpu.memory_space<vmem_shared>>) offsets(%dma_start3A_85 : memref<128xi32, #tpu.memory_space<vmem>>) semaphore(%run_scoped3A_82 : memref<!tpu.dma_semaphore, #tpu.memory_space<semaphore_mem>>) {add = true}
      %dma_wait3A_89 = arith.constant 0 : i32
      %dma_wait3A_90 = tpu.memref_slice %arg9[%run_scoped3A_76, %dma_wait3A_89] : memref<40x128xi32, #tpu.memory_space<vmem>> -> memref<1x128xi32, #tpu.memory_space<vmem>>
      %dma_wait3A_91 = tpu.memref_squeeze %dma_wait3A_90 : memref<1x128xi32, #tpu.memory_space<vmem>> -> memref<128xi32, #tpu.memory_space<vmem>>
      %dma_wait3A_92 = arith.constant 0 : i32
      %dma_wait3A_93 = arith.constant 0 : i32
      %dma_wait3A_94 = tpu.memref_slice %arg7[%dma_wait3A_92, %dma_wait3A_93] : memref<10112x128xf32, #tpu.memory_space<vmem_shared>> -> memref<10112x128xf32, #tpu.memory_space<vmem_shared>>
      tpu.wait_indirect_dma semaphore(%run_scoped3A_82 : memref<!tpu.dma_semaphore, #tpu.memory_space<semaphore_mem>>) src(%arg11 : memref<128x128xf32, #tpu.memory_space<vmem>>) dst(%dma_wait3A_94 : memref<10112x128xf32, #tpu.memory_space<vmem_shared>>)
      tpu.yield
    }) : () -> ()
    %barrier3A_77 = arith.constant 0 : index
    tpu.barrier barrier_id(%barrier3A_77)
    %mul3A_78 = arith.constant 632 : i32
    %mul3A_79 = arith.muli %arg1, %mul3A_78 : i32
    %mul3A_80 = arith.constant 632 : i32
    %mul3A_81 = arith.muli %arg1, %mul3A_80 : i32
    "tpu.region"() ({
      %run_scoped3A_82 = tpu.sem_alloc : memref<!tpu.dma_semaphore, #tpu.memory_space<semaphore_mem>>
      %dma_start3A_83 = arith.constant 0 : i32
      %dma_start3A_84 = tpu.memref_slice %arg6[%arg0, %mul3A_81, %dma_start3A_83] : memref<2x10112x128xf32, #tpu.memory_space<hbm>> -> memref<1x632x128xf32, #tpu.memory_space<hbm>>
      %dma_start3A_85 = tpu.memref_squeeze %dma_start3A_84 : memref<1x632x128xf32, #tpu.memory_space<hbm>> -> memref<632x128xf32, #tpu.memory_space<hbm>>
      %dma_start3A_86 = arith.constant 0 : i32
      %dma_start3A_87 = tpu.memref_slice %arg7[%mul3A_79, %dma_start3A_86] : memref<10112x128xf32, #tpu.memory_space<vmem_shared>> -> memref<632x128xf32, #tpu.memory_space<vmem_shared>>
      tpu.enqueue_dma source(%dma_start3A_87 : memref<632x128xf32, #tpu.memory_space<vmem_shared>>) target(%dma_start3A_85 : memref<632x128xf32, #tpu.memory_space<hbm>>) target_semaphore(%run_scoped3A_82 : memref<!tpu.dma_semaphore, #tpu.memory_space<semaphore_mem>>)
      %dma_wait3A_88 = arith.constant 0 : i32
      %dma_wait3A_89 = tpu.memref_slice %arg6[%arg0, %mul3A_81, %dma_wait3A_88] : memref<2x10112x128xf32, #tpu.memory_space<hbm>> -> memref<1x632x128xf32, #tpu.memory_space<hbm>>
      %dma_wait3A_90 = tpu.memref_squeeze %dma_wait3A_89 : memref<1x632x128xf32, #tpu.memory_space<hbm>> -> memref<632x128xf32, #tpu.memory_space<hbm>>
      %dma_wait3A_91 = arith.constant 0 : i32
      %dma_wait3A_92 = tpu.memref_slice %arg7[%mul3A_79, %dma_wait3A_91] : memref<10112x128xf32, #tpu.memory_space<vmem_shared>> -> memref<632x128xf32, #tpu.memory_space<vmem_shared>>
      tpu.wait_dma2 semaphore(%run_scoped3A_82 : memref<!tpu.dma_semaphore, #tpu.memory_space<semaphore_mem>>) src(%dma_wait3A_92 : memref<632x128xf32, #tpu.memory_space<vmem_shared>>) dst(%dma_wait3A_90 : memref<632x128xf32, #tpu.memory_space<hbm>>)
      tpu.yield
    }) : () -> ()
    return
  }
}

</mosaic_0001>

<sc_bundles>
// kernel: _sc_scatter.3.cloned.1.call-start
scs
__scs_entry_jumppad:
0x0: {  	(pc) =	sbr.rel $0x88, $3  }
0x1: {  	(tag) =	ssettag $0x0;
	lr =	simm.s32 $0x1  }
0x2: {  	[smem:$0x3F9D] =	sst lr;
	_ =	strace $0xD0000000  }
0x3: {  	_ = 	snop  }
0x4: {  	_ = 	snop  }
0x5: {  	_ = 	snop  }
0x6: {  	_ = 	snop  }
0x7: {  	_ = 	snop  }
__scs_overlays_trampoline_lowered:
0x8: {  	[smem:$0x3FAC] =	sst s0  }
0x9: {  	[smem:$0x3FAD] =	sst s1  }
0xa: {  	[smem:$0x3FAE] =	sst s2  }
0xb: {  	[smem:$0x3FAF] =	sst s3  }
0xc: {  	[smem:$0x3FB0] =	sst s4  }
0xd: {  	[smem:$0x3FB1] =	sst s5  }
0xe: {  	[smem:$0x3FB2] =	sst s6  }
0xf: {  	[smem:$0x3FB3] =	sst s7  }
0x10: {  	[smem:$0x3FB4] =	sst s8  }
0x11: {  	[smem:$0x3FB5] =	sst s9;
	s0 =	simm.s32 @!p0 $0x0  }
0x12: {  	s1 =	sld [smem:$0x3F9B];
	s0 =	simm.s32 @p0 $0x1  }
0x13: {  	[smem:$0x3FB6] =	sst s0;
	s0 =	simm.s32 @!p1 $0x0  }
0x14: {  	s2 =	sld [smem:$0x3F9A];
	s0 =	simm.s32 @p1 $0x1  }
0x15: {  	[smem:$0x3FB7] =	sst s0;
	s0 =	simm.s32 @!p2 $0x0  }
0x16: {  	s3 =	sld [smem:$0x3FDB];
	s0 =	simm.s32 @p2 $0x1  }
0x17: {  	s4 =	simm.s32 $0x1BF5;
	[smem:$0x3FB9] =	sst s0  }
0x18: {  	s0 =	sld [smem:$0x3F9C];
	_ =	swait.ge [sflag:s4], $0x0  }
0x19: {  	s7 =	sld [smem:$0x3F9D]  }
0x1a: {  	s8 =	sadd.s32 $0xFFFFE003, lr  }
0x1b: {  	s9 =	sadd.s32 $0xFFFFFEF7, lr;
	s5 =	simm.s32 $0xFFFFFFFF;
	p2 =	slt.u32 s8, $0xFFFFF086  }
0x1c: {  	p1 =	slt.u32 s9, $0xF7A;
	s5 =	simm.s32 @!p2 $0x0  }
0x1d: {  	s5 =	simm.s32 @p1 $0x1;
	p0 =	seq.s32 s7, s2  }
0x1e: {  	s7 =	smul.u32 @!p0 $0xF7A, s2;
	p2 =	seq.s32 @!p0 s5, $0x0  }
0x1f: {  	s9 =	smul.u32 $0xF7A, s1;
	s8 =	simm.s32 @!p0 $0x1BF5;
	p2 =	por !p2, p0  }
0x20: {  	[sflag:s8] =	ssyncset.s32 @!p0 $0xFFFFF086;
	s6 =	sadd.s32 @!p0 s3, s7;
	s7 =	simm.s32 @!p0 $0x108  }
0x21: {  	s3 =	sadd.s32 s3, s9;
	s6 =	sadd.s32 @!p0 $0x88, s6;
	s7 =	simm.s32 @p2 $0x1082  }
0x22: {  	[simem:s7], [sflag:s8] =	dma.local @!p0 [hbm:s6], $0xF7A  }
0x23: {  	s9 =	sor.u32 $0xD0000000, s2;
	s6 =	simm.s32 $0x108;
	_ =	swait.ge @!p0 [sflag:s8], $0x0  }
0x24: {  	s3 =	sadd.s32 $0x88, s3;
	s6 =	simm.s32 @!p1 $0x1082;
	[sflag:s4] =	ssyncset.s32 $0xFFFFF086  }
0x25: {  	[simem:s6], [sflag:s4] =	dma.local [hbm:s3], $0xF7A  }
0x26: {  	[smem:$0x3F9D] =	sst s1;
	(tag) =	ssettag s2;
	_ =	strace s9  }
0x27: {  	s1 =	sld [smem:$0x3FAD]  }
0x28: {  	s2 =	sld [smem:$0x3FAE]  }
0x29: {  	s4 =	sld [smem:$0x3FB0]  }
0x2a: {  	p0 =	seq.s32 s5, $0x0;
	s5 =	sld [smem:$0x3FB1]  }
0x2b: {  	s6 =	sld [smem:$0x3FB2]  }
0x2c: {  	s7 =	sld [smem:$0x3FB3]  }
0x2d: {  	s3 =	simm.s32 $0x108;
	s8 =	sld [smem:$0x3FB4]  }
0x2e: {  	s3 =	simm.s32 @!p0 $0x1082;
	s9 =	sld [smem:$0x3FB5]  }
0x2f: {  	lr =	sadd.s32 s0, s3;
	s0 =	sld [smem:$0x3FAC]  }
0x30: {  	s3 =	sld [smem:$0x3FAF]  }
0x31: {  	[smem:$0x3FB8] =	sst s10  }
0x32: {  	s10 =	sld [smem:$0x3FB6];
	_ =	sdelay $0x3  }
0x33: {  	p0 =	seq.s32 s10, $0x1;
	s10 =	sld [smem:$0x3FB8];
	_ =	sdelay $0x3  }
0x34: {  	[smem:$0x3FB8] =	sst s10  }
0x35: {  	s10 =	sld [smem:$0x3FB7];
	_ =	sdelay $0x3  }
0x36: {  	p1 =	seq.s32 s10, $0x1;
	s10 =	sld [smem:$0x3FB8];
	_ =	sdelay $0x3  }
0x37: {  	[smem:$0x3FB8] =	sst s10  }
0x38: {  	s10 =	sld [smem:$0x3FB9]  }
0x39: {  	_ = 	snop;
	(pc) =	sbr.ind lr, $3  }
0x3a: {  	_ = 	snop  }
0x3b: {  	_ = 	snop  }
0x3c: {  	p2 =	seq.s32 s10, $0x1;
	s10 =	sld [smem:$0x3FB8]  }
0x3d: {  	_ =	shalt  }
0x3e: {  	_ =	shalt  }
0x3f: {  	_ =	shalt  }
0x40: {  	_ =	shalt  }
0x41: {  	_ =	shalt  }
0x42: {  	_ =	shalt  }
0x43: {  	_ =	shalt  }
0x44: {  	_ =	shalt  }
0x45: {  	_ =	shalt  }
0x46: {  	_ =	shalt  }
0x47: {  	_ =	shalt  }
0x48: {  	_ =	shalt  }
0x49: {  	_ =	shalt  }
0x4a: {  	_ =	shalt  }
0x4b: {  	_ =	shalt  }
0x4c: {  	_ =	shalt  }
0x4d: {  	_ =	shalt  }
0x4e: {  	_ =	shalt  }
0x4f: {  	_ =	shalt  }
0x50: {  	_ =	shalt  }
0x51: {  	_ =	shalt  }
0x52: {  	_ =	shalt  }
0x53: {  	_ =	shalt  }
0x54: {  	_ =	shalt  }
0x55: {  	_ =	shalt  }
0x56: {  	_ =	shalt  }
0x57: {  	_ =	shalt  }
0x58: {  	_ =	shalt  }
0x59: {  	_ =	shalt  }
0x5a: {  	_ =	shalt  }
0x5b: {  	_ =	shalt  }
0x5c: {  	_ =	shalt  }
0x5d: {  	_ =	shalt  }
0x5e: {  	_ =	shalt  }
0x5f: {  	_ =	shalt  }
0x60: {  	_ =	shalt  }
0x61: {  	_ =	shalt  }
0x62: {  	_ =	shalt  }
0x63: {  	_ =	shalt  }
0x64: {  	_ =	shalt  }
0x65: {  	_ =	shalt  }
0x66: {  	_ =	shalt  }
0x67: {  	_ =	shalt  }
0x68: {  	_ =	shalt  }
0x69: {  	_ =	shalt  }
0x6a: {  	_ =	shalt  }
0x6b: {  	_ =	shalt  }
0x6c: {  	_ =	shalt  }
0x6d: {  	_ =	shalt  }
0x6e: {  	_ =	shalt  }
0x6f: {  	_ =	shalt  }
0x70: {  	_ =	shalt  }
0x71: {  	_ =	shalt  }
0x72: {  	_ =	shalt  }
0x73: {  	_ =	shalt  }
0x74: {  	_ =	shalt  }
0x75: {  	_ =	shalt  }
0x76: {  	_ =	shalt  }
0x77: {  	_ =	shalt  }
0x78: {  	_ =	shalt  }
0x79: {  	_ =	shalt  }
0x7a: {  	_ =	shalt  }
0x7b: {  	_ =	shalt  }
0x7c: {  	_ =	shalt  }
0x7d: {  	_ =	shalt  }
0x7e: {  	_ =	shalt  }
0x7f: {  	_ =	shalt  }
0x80: {  	_ =	shalt  }
0x81: {  	_ =	shalt  }
0x82: {  	_ =	shalt  }
0x83: {  	_ =	shalt  }
0x84: {  	_ =	shalt  }
0x85: {  	_ =	shalt  }
0x86: {  	_ =	shalt  }
0x87: {  	_ =	shalt  }
.Lfunc_end0:
.L_simem_size_0:
called_computation_lowered:
.L_overlay_start_0:
0x88: {  	s2 =	sld [smem:$0x3FD9]  }
0x89: {  	s3 =	sld [smem:$0x3FFE];
	_ =	sdelay $0x1  }
0x8a: {  	s1 =	srdreg.scid  }
0x8b: {  	s0 =	sand.u32 $0x1, s1  }
0x8c: {  	s18 =	sshll.u32 s0, $0xA;
	s2 =	sadd.s32 s3, s2  }
0x8d: {  	s2 =	sadd.s32 s2, s18  }
0x8e: {  	[smem:$0x3FC4] =	sst s2  }
0x8f: {  	_ = 	snop  }
0x90: {  	s2 =	sld [smem:$0x3FC9]  }
0x91: {  	s19 =	sld [smem:$0x3FC8]  }
0x92: {  	s4 =	sld [smem:$0x3FC7]  }
0x93: {  	s5 =	sld [smem:$0x3FC6]  }
0x94: {  	s6 =	sld [smem:$0x3FD0];
	(tm) =	ssettm $0x1  }
0x95: {  	s7 =	sld [smem:$0x3FFB];
	_ =	sdelay $0x3  }
0x96: {  	_ =	strace s7  }
0x97: {  	s7 =	sld [smem:$0x3FFC];
	_ =	sdelay $0x3  }
0x98: {  	_ =	strace s7  }
0x99: {  	s7 =	sld [smem:$0x3FFD];
	_ =	sdelay $0x3  }
0x9a: {  	_ =	strace s7  }
0x9b: {  	_ =	strace $0x8FFFFFFF  }
0x9c: {  	s20 =	sld [smem:$0x3FDB];
	_ =	sdelay $0x1  }
0x9d: {  	s8 =	simm.s32 $_scs_section_size  }
0x9e: {  	s9 =	simm.s32 $_size__tile_overlayer_lowered;
	s10 =	simm.s32 $_tile_overlayer_lowered  }
0x9f: {  	s23 =	simm.s32 $0x1BFF;
	s22 =	sshll.u32 s10, $0x1;
	s7 =	sadd.s32 s8, s20  }
0xa0: {  	s11 =	simm.s32 $0x0;
	s21 =	sshll.u32 s9, $0x1;
	s9 =	sadd.s32 s22, s7  }
0xa1: {  	[timem:s11], [sflag:s23] =	dma.local [hbm:s9], s21  }
0xa2: {  	_ =	swait.ge [sflag:s23], s21  }
0xa3: {  	s8 =	ssub.s32 $0x0, s21;
	[sflag:s23] =	ssyncset.done $0x0  }
0xa4: {  	[sflag:s23] =	ssyncadd.s32 s8;
	_ =	sdelay $0x1  }
0xa5: {  	s24 =	simm.s32 $0x1B8B  }
0xa6: {  	_ =	swait.ge [sflag:s24], $0x1  }
0xa7: {  	[sflag:s24] =	ssyncset.done $0x0  }
0xa8: {  	s25 =	simm.s32 $0x1B8E;
	[sflag:s24] =	ssyncadd.s32 $0xFFFFFFFF  }
0xa9: {  	s26 =	simm.s32 $execute0_lowered;
	[smem:$0x3FD2] =	sst s25  }
0xaa: {  	s8 =	sshll.u32 s26, $0x1;
	_ =	strace $0x80000046;
	[dreg:$0x1] =	wrdreg $0xFFFFFFFF  }
0xab: {  	s28 =	simm.s32 $_size_execute0_lowered;
	s7 =	sadd.s32 s7, s8;
	[dreg:$0x0] =	wrdreg $0x0  }
0xac: {  	s8 =	sshll.u32 s28, $0x1;
	[dreg:$0x2] =	wrdreg s7  }
0xad: {  	[dreg:$0x3] =	wrdreg s8  }
0xae: {  	[dreg:$0x4] =	wrdreg $0xC0  }
0xaf: {  	_ =	task [dreg:s11], $0x5FFFF  }
0xb0: {  	[dreg:$0x1] =	wrdreg $0xFFFFFFFF  }
0xb1: {  	[dreg:$0x0] =	wrdreg $0x60  }
0xb2: {  	[dreg:$0x2] =	wrdreg s2  }
0xb3: {  	[dreg:$0x3] =	wrdreg s19  }
0xb4: {  	[dreg:$0x4] =	wrdreg s4  }
0xb5: {  	[dreg:$0x5] =	wrdreg s5  }
0xb6: {  	[dreg:$0x6] =	wrdreg s6  }
0xb7: {  	[dreg:$0x7] =	wrdreg $0x0  }
0xb8: {  	[dreg:$0x8] =	wrdreg $0x9  }
0xb9: {  	_ =	task.clear_ibuf [dreg:s11], $0x9FFFF;
	_ =	strace $0x90000046  }
0xba: {  	s29 =	simm.s32 $0x9;
	_ =	strace $0x80000048  }
0xbb: {  	_ =	swait.ge [sflag:s29], $0x1  }
0xbc: {  	[sflag:s29] =	ssyncadd.s32 $0xFFFFFFFF  }
0xbd: {  	_ =	strace $0x90000048  }
0xbe: {  	_ =	sfence  }
0xbf: {  	s30 =	sld [smem:$0x0];
	_ =	sdelay $0x2  }
0xc0: {  	s31 =	sshll.u32 s1, $0xD;
	s1 =	sshrl.u32 s1, $0x2  }
0xc1: {  	s3 =	sand.u32 $0x4000, s31;
	s1 =	sadd.s32 s1, s30  }
0xc2: {  	s0 =	sor.u32 s3, s0;
	s1 =	sshll.u32 s1, $0x11  }
0xc3: {  	s0 =	sor.u32 s1, s0  }
0xc4: {  	s0 =	sadd.s32 $0x8F2B, s0  }
0xc5: {  	[sflag:s0] =	ssyncadd.remote.s32 $0x1  }
0xc6: {  	_ =	sfence.sel $0xFFFF  }
0xc7: {  	[dreg:$0x0] =	wrdreg $0xFFFFFFFF;
	(pc) =	sbr.abs _section_cstart, $3  }
0xc8: {  	[dreg:$0x1] =	wrdreg $0xFFFFFFFF  }
0xc9: {  	_ =	task.clear_ibuf [dreg:s11], $0x2FFFF;
	_ =	strace $0x9FFFFFFF  }
0xca: {  	(tm) =	ssettm $0x7FFFFFFF  }
0xcb: {  	_ =	shalt  }
tec
execute0_lowered:
.L_overlay_start_1:
0x0: {  	(tag) =	ssettag $0x1  }
0x1: {  	s1 =	rddreg [dreg:$0x0]  }
0x2: {  	s9 =	rddreg [dreg:$0x1]  }
0x3: {  	s10 =	rddreg [dreg:$0x2]  }
0x4: {  	s5 =	rddreg [dreg:$0x3]  }
0x5: {  	s11 =	rddreg [dreg:$0x4]  }
0x6: {  	s2 =	rddreg [dreg:$0x5]  }
0x7: {  	s0 =	rddreg [dreg:$0x6];
	s4 =	simm.s32 $0x0;
	s6 =	srdreg.scid  }
0x8: {  	s3 =	stileid.u32;
	s18 =	simm.s32 $0x16400;
	s19 =	simm.s32 $0x13C80  }
0x9: {  	s20 =	simm.s32 $0x1A400;
	s21 =	simm.s32 $0x1;
	s22 =	simm.s32 $0x2  }
0xa: {  	s23 =	simm.s32 $0x16300;
	s24 =	simm.s32 $0x16380;
	s25 =	simm.s32 $0x0  }
0xb: {  	[smem:$0x7FF] =	sst s4;
	s6 =	sand.u32 $0x1, s6;
	s7 =	smul.u32 $0x4F000, s3  }
0xc: {  	s8 =	sshll.u32 s3, $0x1;
	s13 =	smul.u32 $0x13C00, s3;
	s15 =	sshll.u32 s3, $0x6  }
0xd: {  	_ =	strace $0x80000047;
	s12 =	ssub.s32 $0x2, s6;
	s8 =	sor.u32 s6, s8  }
0xe: {  	s17 =	smul.u32 $0x13C000, s6;
	s6 =	sor.u32 $0x1C03, s15;
	s15 =	simm.s32 $0x13C00  }
0xf: {  	s14 =	sshrl.u32 s12, $0x1;
	s7 =	sshrl.u32 s7, $0x2;
	s8 =	smul.u32 $0x2800, s8  }
0x10: {  	s30 =	sshrl.u32 s13, $0x3;
	s12 =	ssub.s32 s12, s14;
	s29 =	sadd.s32 s7, s2  }
0x11: {  	s5 =	sadd.s32 s5, s30;
	s13 =	sadd.s32 s13, s17;
	s14 =	simm.s32 $0x3  }
0x12: {  	s17 =	simm.s32 $0x80;
	s16 =	sshrl.u32 s8, $0x3;
	s13 =	sshrl.u32 s13, $0x3  }
0x13: {  	s12 =	smax.u32 s12, $0x1;
	s7 =	sadd.s32 s9, s16;
	s8 =	sadd.s32 s10, s16  }
0x14: {  	s31 =	sadd.s32 $0x280, s16;
	s11 =	sadd.s32 s11, s13;
	s13 =	sshrl.u32 s29, $0x3  }
0x15: {  	s16 =	simm.s32 $0x15000;
	s9 =	sadd.s32 s9, s31;
	s10 =	sadd.s32 s10, s31  }
.LBB2_1:
0x16: {  	[spmem:s13], [sflag:s6] =	dma.local [hbm:s5], $0x2780  }
0x17: {  	_ =	swait.ge [sflag:s14], $0x2780  }
0x18: {  	[sflag:s14] =	ssyncset.done $0x0  }
0x19: {  	[sflag:s14] =	ssyncadd.s32 $0xFFFFD880  }
0x1a: {  	[bflag:$0x0] =	sbarrier.arrive $0xFFFF  }
0x1b: {  	[tilespmem:s15], [sflag:$0x3] =	stream.linear.gather [hbm4b:s7+s4], $0x1400, $0x38;
	[tilespmem:$0x1E400] =	vst v63  }
0x1c: {  	_ =	swait.ge [sflag:s14], $0x1400  }
0x1d: {  	[sflag:s14] =	ssyncset.done $0x0  }
0x1e: {  	[sflag:s14] =	ssyncadd.s32 $0xFFFFEC00  }
0x1f: {  	[tilespmem:s16], [sflag:$0x3] =	stream.linear.gather [hbm4b:s8+s4], $0x1400, $0x38;
	[tilespmem:$0x1E400] =	vst v63  }
0x20: {  	_ =	swait.ge [sflag:s14], $0x1400  }
0x21: {  	[sflag:s14] =	ssyncset.done $0x0  }
0x22: {  	[sflag:s14] =	ssyncadd.s32 $0xFFFFEC00  }
0x23: {  	[tilespmem:s18], [sflag:$0x1] =	stream.indirect.gather [hbm4b:s1+s17], $0x80, s15, s17, $0xb8;
	[tilespmem:$0x1E400] =	vst v63  }
0x24: {  	_ = 	snop  }
0x25: {  	[tilespmem:s20], [sflag:$0x2] =	stream.indirect.gather [hbm4b:s1+s17], $0x80, s19, s17, $0xb8;
	[tilespmem:$0x1E400] =	vst v63  }
0x26: {  	_ =	swait.ge [sflag:s21], $0x4000  }
0x27: {  	[sflag:s21] =	ssyncset.done $0x0  }
0x28: {  	s26 =	simm.s32 $0x15000;
	[sflag:s21] =	ssyncadd.s32 $0xFFFFC000  }
0x29: {  	[spmem:s2] =	stream.indirect.scatter.add.f32 [tilespmem:s18], [sflag:$0x3], $0x80, s26, s17, $0xb8;
	[tilespmem:$0x1E400] =	vst v63  }
0x2a: {  	_ =	swait.ge [sflag:s14], $0x4000  }
0x2b: {  	[sflag:s14] =	ssyncset.done $0x0  }
0x2c: {  	s30 =	simm.s32 $0x13D00;
	[sflag:s14] =	ssyncadd.s32 $0xFFFFC000  }
0x2d: {  	[tilespmem:s18], [sflag:$0x1] =	stream.indirect.gather [hbm4b:s1+s17], $0x80, s30, s17, $0xb8;
	[tilespmem:$0x1E400] =	vst v63  }
0x2e: {  	_ =	swait.ge [sflag:s22], $0x4000  }
0x2f: {  	[sflag:s22] =	ssyncset.done $0x0  }
0x30: {  	s31 =	simm.s32 $0x15080;
	[sflag:s22] =	ssyncadd.s32 $0xFFFFC000  }
0x31: {  	[spmem:s2] =	stream.indirect.scatter.add.f32 [tilespmem:s20], [sflag:$0x3], $0x80, s31, s17, $0xb8;
	[tilespmem:$0x1E400] =	vst v63  }
0x32: {  	_ =	swait.ge [sflag:s14], $0x4000  }
0x33: {  	[sflag:s14] =	ssyncset.done $0x0  }
0x34: {  	s28 =	simm.s32 $0x13D80;
	s26 =	simm.s32 $0x400;
	[sflag:s14] =	ssyncadd.s32 $0xFFFFC000  }
.LBB2_2:
0x35: {  	[tilespmem:s20], [sflag:$0x2] =	stream.indirect.gather [hbm4b:s1+s17], $0x80, s28, s17, $0xb8;
	[tilespmem:$0x1E400] =	vst v63  }
0x36: {  	s28 =	smov.u32 s26  }
0x37: {  	p0 =	sne.s32 s26, $0x4800;
	s26 =	sadd.s32 $0x400, s26;
	_ =	swait.ge [sflag:s21], $0x4000  }
0x38: {  	s28 =	sshra.s32 s28, $0x2;
	[sflag:s21] =	ssyncset.done $0x0  }
0x39: {  	s29 =	sadd.s32 $0x15000, s28;
	[sflag:s21] =	ssyncadd.s32 $0xFFFFC000  }
0x3a: {  	[spmem:s2] =	stream.indirect.scatter.add.f32 [tilespmem:s18], [sflag:$0x3], $0x80, s29, s17, $0xb8;
	[tilespmem:$0x1E400] =	vst v63  }
0x3b: {  	_ =	swait.ge [sflag:s14], $0x4000  }
0x3c: {  	[sflag:s14] =	ssyncset.done $0x0  }
0x3d: {  	s29 =	sadd.s32 $0x13D00, s28;
	[sflag:s14] =	ssyncadd.s32 $0xFFFFC000  }
0x3e: {  	[tilespmem:s18], [sflag:$0x1] =	stream.indirect.gather [hbm4b:s1+s17], $0x80, s29, s17, $0xb8;
	[tilespmem:$0x1E400] =	vst v63  }
0x3f: {  	_ =	swait.ge [sflag:s22], $0x4000  }
0x40: {  	[sflag:s22] =	ssyncset.done $0x0  }
.Ltmp0:
0x41: {  	s29 =	sadd.s32 $0x15080, s28;
	[sflag:s22] =	ssyncadd.s32 $0xFFFFC000;
	(pc) =	sbr.rel @p0 .LBB2_2-.Ltmp0, $4  }
0x42: {  	[spmem:s2] =	stream.indirect.scatter.add.f32 [tilespmem:s20], [sflag:$0x3], $0x80, s29, s17, $0xb8;
	[tilespmem:$0x1E400] =	vst v63  }
0x43: {  	_ =	swait.ge [sflag:s14], $0x4000  }
0x44: {  	[sflag:s14] =	ssyncset.done $0x0  }
0x45: {  	s28 =	sadd.s32 $0x13D80, s28;
	[sflag:s14] =	ssyncadd.s32 $0xFFFFC000  }
0x46: {  	[tilespmem:s20], [sflag:$0x2] =	stream.indirect.gather [hbm4b:s1+s17], $0x80, s28, s17, $0xb8;
	[tilespmem:$0x1E400] =	vst v63  }
0x47: {  	_ =	swait.ge [sflag:s21], $0x4000  }
0x48: {  	[sflag:s21] =	ssyncset.done $0x0  }
0x49: {  	[sflag:s21] =	ssyncadd.s32 $0xFFFFC000  }
0x4a: {  	[spmem:s2] =	stream.indirect.scatter.add.f32 [tilespmem:s18], [sflag:$0x3], $0x80, s23, s17, $0xb8;
	[tilespmem:$0x1E400] =	vst v63  }
0x4b: {  	_ =	swait.ge [sflag:s14], $0x4000  }
0x4c: {  	[sflag:s14] =	ssyncset.done $0x0  }
0x4d: {  	[sflag:s14] =	ssyncadd.s32 $0xFFFFC000  }
0x4e: {  	_ =	swait.ge [sflag:s22], $0x4000  }
0x4f: {  	[sflag:s22] =	ssyncset.done $0x0  }
0x50: {  	[sflag:s22] =	ssyncadd.s32 $0xFFFFC000  }
0x51: {  	[spmem:s2] =	stream.indirect.scatter.add.f32 [tilespmem:s20], [sflag:$0x3], $0x80, s24, s17, $0xb8;
	[tilespmem:$0x1E400] =	vst v63  }
0x52: {  	_ =	swait.ge [sflag:s14], $0x4000  }
0x53: {  	[sflag:s14] =	ssyncset.done $0x0  }
0x54: {  	s26 =	simm.s32 $0x0;
	[sflag:s14] =	ssyncadd.s32 $0xFFFFC000  }
0x55: {  	[tilespmem:s15], [sflag:$0x3] =	stream.linear.gather [hbm4b:s9+s26], $0x1400, $0x38;
	[tilespmem:$0x1E400] =	vst v63  }
0x56: {  	_ =	swait.ge [sflag:s14], $0x1400  }
0x57: {  	[sflag:s14] =	ssyncset.done $0x0  }
0x58: {  	[sflag:s14] =	ssyncadd.s32 $0xFFFFEC00  }
0x59: {  	[tilespmem:s16], [sflag:$0x3] =	stream.linear.gather [hbm4b:s10+s26], $0x1400, $0x38;
	[tilespmem:$0x1E400] =	vst v63  }
0x5a: {  	_ =	swait.ge [sflag:s14], $0x1400  }
0x5b: {  	[sflag:s14] =	ssyncset.done $0x0  }
0x5c: {  	[sflag:s14] =	ssyncadd.s32 $0xFFFFEC00  }
0x5d: {  	[tilespmem:s18], [sflag:$0x1] =	stream.indirect.gather [hbm4b:s1+s17], $0x80, s15, s17, $0xb8;
	[tilespmem:$0x1E400] =	vst v63  }
0x5e: {  	_ = 	snop  }
0x5f: {  	[tilespmem:s20], [sflag:$0x2] =	stream.indirect.gather [hbm4b:s1+s17], $0x80, s19, s17, $0xb8;
	[tilespmem:$0x1E400] =	vst v63  }
0x60: {  	_ =	swait.ge [sflag:s21], $0x4000  }
0x61: {  	[sflag:s21] =	ssyncset.done $0x0  }
0x62: {  	s29 =	simm.s32 $0x15000;
	[sflag:s21] =	ssyncadd.s32 $0xFFFFC000  }
0x63: {  	[spmem:s2] =	stream.indirect.scatter.add.f32 [tilespmem:s18], [sflag:$0x3], $0x80, s29, s17, $0xb8;
	[tilespmem:$0x1E400] =	vst v63  }
0x64: {  	_ =	swait.ge [sflag:s14], $0x4000  }
0x65: {  	[sflag:s14] =	ssyncset.done $0x0  }
0x66: {  	s30 =	simm.s32 $0x13D00;
	[sflag:s14] =	ssyncadd.s32 $0xFFFFC000  }
0x67: {  	[tilespmem:s18], [sflag:$0x1] =	stream.indirect.gather [hbm4b:s1+s17], $0x80, s30, s17, $0xb8;
	[tilespmem:$0x1E400] =	vst v63  }
0x68: {  	_ =	swait.ge [sflag:s22], $0x4000  }
0x69: {  	[sflag:s22] =	ssyncset.done $0x0  }
0x6a: {  	s31 =	simm.s32 $0x15080;
	[sflag:s22] =	ssyncadd.s32 $0xFFFFC000  }
0x6b: {  	[spmem:s2] =	stream.indirect.scatter.add.f32 [tilespmem:s20], [sflag:$0x3], $0x80, s31, s17, $0xb8;
	[tilespmem:$0x1E400] =	vst v63  }
0x6c: {  	_ =	swait.ge [sflag:s14], $0x4000  }
0x6d: {  	[sflag:s14] =	ssyncset.done $0x0  }
0x6e: {  	s28 =	simm.s32 $0x13D80;
	s26 =	simm.s32 $0x400;
	[sflag:s14] =	ssyncadd.s32 $0xFFFFC000  }
.LBB2_4:
0x6f: {  	[tilespmem:s20], [sflag:$0x2] =	stream.indirect.gather [hbm4b:s1+s17], $0x80, s28, s17, $0xb8;
	[tilespmem:$0x1E400] =	vst v63  }
0x70: {  	s28 =	smov.u32 s26  }
0x71: {  	p0 =	sne.s32 s26, $0x4800;
	s26 =	sadd.s32 $0x400, s26;
	_ =	swait.ge [sflag:s21], $0x4000  }
0x72: {  	s28 =	sshra.s32 s28, $0x2;
	[sflag:s21] =	ssyncset.done $0x0  }
0x73: {  	s29 =	sadd.s32 $0x15000, s28;
	[sflag:s21] =	ssyncadd.s32 $0xFFFFC000  }
0x74: {  	[spmem:s2] =	stream.indirect.scatter.add.f32 [tilespmem:s18], [sflag:$0x3], $0x80, s29, s17, $0xb8;
	[tilespmem:$0x1E400] =	vst v63  }
0x75: {  	_ =	swait.ge [sflag:s14], $0x4000  }
0x76: {  	[sflag:s14] =	ssyncset.done $0x0  }
0x77: {  	s29 =	sadd.s32 $0x13D00, s28;
	[sflag:s14] =	ssyncadd.s32 $0xFFFFC000  }
0x78: {  	[tilespmem:s18], [sflag:$0x1] =	stream.indirect.gather [hbm4b:s1+s17], $0x80, s29, s17, $0xb8;
	[tilespmem:$0x1E400] =	vst v63  }
0x79: {  	_ =	swait.ge [sflag:s22], $0x4000  }
0x7a: {  	[sflag:s22] =	ssyncset.done $0x0  }
.Ltmp1:
0x7b: {  	s29 =	sadd.s32 $0x15080, s28;
	[sflag:s22] =	ssyncadd.s32 $0xFFFFC000;
	(pc) =	sbr.rel @p0 .LBB2_4-.Ltmp1, $4  }
0x7c: {  	[spmem:s2] =	stream.indirect.scatter.add.f32 [tilespmem:s20], [sflag:$0x3], $0x80, s29, s17, $0xb8;
	[tilespmem:$0x1E400] =	vst v63  }
0x7d: {  	_ =	swait.ge [sflag:s14], $0x4000  }
0x7e: {  	[sflag:s14] =	ssyncset.done $0x0  }
0x7f: {  	s28 =	sadd.s32 $0x13D80, s28;
	[sflag:s14] =	ssyncadd.s32 $0xFFFFC000  }
0x80: {  	[tilespmem:s20], [sflag:$0x2] =	stream.indirect.gather [hbm4b:s1+s17], $0x80, s28, s17, $0xb8;
	[tilespmem:$0x1E400] =	vst v63  }
0x81: {  	_ =	swait.ge [sflag:s21], $0x4000  }
0x82: {  	[sflag:s21] =	ssyncset.done $0x0  }
0x83: {  	[sflag:s21] =	ssyncadd.s32 $0xFFFFC000  }
0x84: {  	[spmem:s2] =	stream.indirect.scatter.add.f32 [tilespmem:s18], [sflag:$0x3], $0x80, s23, s17, $0xb8;
	[tilespmem:$0x1E400] =	vst v63  }
0x85: {  	_ =	swait.ge [sflag:s14], $0x4000  }
0x86: {  	[sflag:s14] =	ssyncset.done $0x0  }
0x87: {  	[sflag:s14] =	ssyncadd.s32 $0xFFFFC000  }
0x88: {  	_ =	swait.ge [sflag:s22], $0x4000  }
0x89: {  	[sflag:s22] =	ssyncset.done $0x0  }
0x8a: {  	[sflag:s22] =	ssyncadd.s32 $0xFFFFC000  }
0x8b: {  	[spmem:s2] =	stream.indirect.scatter.add.f32 [tilespmem:s20], [sflag:$0x3], $0x80, s24, s17, $0xb8;
	[tilespmem:$0x1E400] =	vst v63  }
0x8c: {  	_ =	swait.ge [sflag:s14], $0x4000  }
0x8d: {  	s25 =	sadd.s32 $0x1, s25;
	[sflag:s14] =	ssyncset.done $0x0  }
0x8e: {  	p0 =	sne.s32 s25, s12;
	[sflag:s14] =	ssyncadd.s32 $0xFFFFC000  }
.Ltmp2:
0x8f: {  	[bflag:$0x0] =	sbarrier.arrive $0xFFFF;
	(pc) =	sbr.rel @p0 .LBB2_1-.Ltmp2, $4  }
0x90: {  	[hbm:s11], [sflag:s6] =	dma.local [spmem:s13], $0x2780  }
0x91: {  	_ =	swait.ge [sflag:s14], $0x2780  }
0x92: {  	[sflag:s14] =	ssyncset.done $0x0  }
0x93: {  	[sflag:s14] =	ssyncadd.s32 $0xFFFFD880  }
0x94: {  	_ =	sfence.sel $0x180000  }
0x95: {  	[bflag:$0x0] =	sbarrier.arrive $0xFFFF  }
0x96: {  	p0 =	sne.s32 s3, $0x0;
	_ =	strace $0x90000047  }
0x97: {  	s0 =	sadd.s32 @!p0 $0x100000, s0;
	[bflag:$0x2] =	sbarrier.arrive $0xFFFF  }
0x98: {  	[sflag:s0] =	ssyncadd.tile.s32 @!p0 $0x1;
	_ =	shalt  }
.Lfunc_end2:
_tile_overlayer_lowered:
.L_overlay_start_2:
0x99: {  	(tag) =	ssettag $0x2  }
0x9a: {  	s0 =	rddreg [dreg:$0x0];
	s2 =	stileid.u32  }
0x9b: {  	s1 =	rddreg [dreg:$0x1];
	p0 =	sne.s32 s2, $0x0  }
0x9c: {  	s3 =	rddreg [dreg:$0x2];
	[bflag:$0x3] =	sbarrier.arrive $0xFFFF;
	s2 =	simm.s32 @!p0 $0x1C03  }
0x9d: {  	[timem:s3], [sflag:s2] =	dma.local @!p0 [hbm:s0], s1  }
0x9e: {  	s0 =	simm.s32 @!p0 $0x3  }
0x9f: {  	_ =	swait.ge @!p0 [sflag:s0], s1  }
0xa0: {  	s1 =	ssub.s32 @!p0 $0x0, s1;
	[sflag:s0] =	ssyncset.done @!p0 $0x0  }
0xa1: {  	[sflag:s0] =	ssyncadd.s32 @!p0 s1  }
0xa2: {  	[bflag:$0x3] =	sbarrier.arrive $0xFFFF  }
0xa3: {  	_ =	shalt  }

</sc_bundles>
